<compile_context>
chip_gen: v7x
topology: tpu7x:2x2x1
jax: 0.10.2.dev20260603
libtpu: 0.0.44.dev20260713+nightly
codegen_flags: <defaults>
</compile_context>

<pallas_src>
import functools

import jax
import jax.numpy as jnp
from jax import lax
from jax.experimental import pallas as pl
from jax.experimental.pallas import tpu as pltpu

NEIGHBORS = 7
CHUNK = 2000
RUN_W = 128
INF = float("inf")
FBIG = 1e9


def _topk_body(x_ref, t_ref, x2_ref, t2_ref, idx_out_ref, vals_ref, idx_ref,
               a_ref, cev_ref, cei_ref, flag_ref):
    i = pl.program_id(0)
    nsteps = pl.num_programs(0)
    q = x_ref.shape[0]

    @pl.when(i == 0)
    def _init():
        vals_ref[...] = jnp.full((q, RUN_W), INF, jnp.float32)
        idx_ref[...] = jnp.zeros((q, RUN_W), jnp.float32)

    x = x_ref[...]
    t = t_ref[...]
    d = lax.dot_general(x, t, (((1,), (1,)), ((), ())),
                        preferred_element_type=jnp.float32)
    a_ref[...] = (x2_ref[...] + t2_ref[0]) - 2.0 * d

    basef = (i * CHUNK).astype(jnp.float32)
    civ = basef + lax.broadcasted_iota(
        jnp.int32, (q, CHUNK), 1).astype(jnp.float32)
    tau = vals_ref[:, NEIGHBORS - 1:NEIGHBORS]

    cev_ref[...] = jnp.full((q, 8), INF, jnp.float32)
    cei_ref[...] = jnp.zeros((q, 8), jnp.float32)
    flag_ref[0] = 1

    for r in range(NEIGHBORS):
        @pl.when(flag_ref[0] != 0)
        def _round(r=r):
            a = a_ref[...]
            m = jnp.min(a, axis=1, keepdims=True)
            flag_ref[0] = jnp.any(m <= tau).astype(jnp.int32)
            eq = a == m
            j = jnp.min(jnp.where(eq, civ, FBIG), axis=1,
                        keepdims=True)
            cev_ref[:, r:r + 1] = m
            cei_ref[:, r:r + 1] = j
            a_ref[...] = jnp.where(eq, INF, a)

    g = jnp.concatenate([vals_ref[:, :8], cev_ref[...]], axis=1)
    gi = jnp.concatenate([idx_ref[:, :8], cei_ref[...]], axis=1)
    for k in range(NEIGHBORS):
        m = jnp.min(g, axis=1, keepdims=True)
        eq = g == m
        j = jnp.min(jnp.where(eq, gi, FBIG), axis=1, keepdims=True)
        vals_ref[:, k:k + 1] = m
        idx_ref[:, k:k + 1] = j
        g = jnp.where(eq, INF, g)

    @pl.when(i == nsteps - 1)
    def _emit():
        idx_out_ref[...] = idx_ref[...].astype(jnp.int32)


def _topk_indices(x, x_train):
    q, d = x.shape
    k = x_train.shape[0]
    assert k % CHUNK == 0, (k, CHUNK)
    nchunk = k // CHUNK
    x2 = jnp.sum(x * x, axis=1, keepdims=True)
    t2 = jnp.sum(x_train * x_train, axis=1).reshape(nchunk, 1, CHUNK)
    xb = x.astype(jnp.bfloat16)
    tb = x_train.astype(jnp.bfloat16)
    return pl.pallas_call(
        _topk_body,
        grid=(nchunk,),
        in_specs=[
            pl.BlockSpec((q, d), lambda i: (0, 0)),
            pl.BlockSpec((CHUNK, d), lambda i: (i, 0)),
            pl.BlockSpec((q, 1), lambda i: (0, 0)),
            pl.BlockSpec((1, 1, CHUNK), lambda i: (i, 0, 0)),
        ],
        out_specs=pl.BlockSpec((q, RUN_W), lambda i: (0, 0)),
        out_shape=jax.ShapeDtypeStruct((q, RUN_W), jnp.int32),
        scratch_shapes=[
            pltpu.VMEM((q, RUN_W), jnp.float32),
            pltpu.VMEM((q, RUN_W), jnp.float32),
            pltpu.VMEM((q, CHUNK), jnp.float32),
            pltpu.VMEM((q, 8), jnp.float32),
            pltpu.VMEM((q, 8), jnp.float32),
            pltpu.SMEM((1,), jnp.int32),
        ],
        compiler_params=pltpu.CompilerParams(
            dimension_semantics=("arbitrary",)),
    )(xb, tb, x2, t2)


def _gather_mean_sc(y_flat, idx_w):
    from jax.experimental.pallas import tpu_sc as plsc

    info = plsc.get_sparse_core_info()
    nc, ns, nl = info.num_cores, info.num_subcores, info.num_lanes
    nw = nc * ns
    qtot = idx_w.shape[0] * idx_w.shape[2]
    qpw = qtot // nw
    kk = y_flat.shape[0]
    mesh = plsc.VectorSubcoreMesh(core_axis_name="c", subcore_axis_name="s")

    @functools.partial(
        pl.kernel, mesh=mesh,
        out_type=jax.ShapeDtypeStruct((qtot,), jnp.float32),
        compiler_params=pltpu.CompilerParams(needs_layout_passes=False),
        scratch_types=[
            pltpu.VMEM((kk,), jnp.float32),
            pltpu.VMEM((NEIGHBORS, qpw), jnp.int32),
            pltpu.VMEM((qpw,), jnp.float32),
        ],
    )
    def gather_mean(y_hbm, idx_hbm, out_hbm, y_v, idx_v, out_v):
        wid = lax.axis_index("s") * nc + lax.axis_index("c")
        pltpu.sync_copy(y_hbm, y_v)
        pltpu.sync_copy(idx_hbm.at[wid], idx_v)
        scale = jnp.float32(1.0 / NEIGHBORS)
        for h in range(qpw // nl):
            acc = jnp.zeros((nl,), jnp.float32)
            for j in range(NEIGHBORS):
                iv = idx_v[j, pl.ds(h * nl, nl)]
                acc = acc + plsc.load_gather(y_v, [iv])
            out_v[pl.ds(h * nl, nl)] = acc * scale
        pltpu.sync_copy(out_v, out_hbm.at[pl.ds(wid * qpw, qpw)])

    return gather_mean(y_flat, idx_w)


def kernel(X, X_train, y_train):
    q = X.shape[0]
    idx_pad = _topk_indices(X, X_train)
    idx7 = idx_pad[:, :NEIGHBORS]
    nw = 32
    qpw = q // nw
    idx_w = (idx7.T.reshape(NEIGHBORS, nw, qpw)
             .transpose(1, 0, 2))
    preds = _gather_mean_sc(y_train.reshape(-1), idx_w)
    return preds.reshape(q, 1)

# --- scband reference (transcript-rebuilt; emitter-appended) ---
"""Pipeline reference for scband-torch-knn-63720134803806 (READ-ONLY COPY).

The authoritative reference and input builder live on the scoring server;
editing this copy changes nothing except your own understanding.
"""

import jax, jax.numpy as jnp
import numpy as np

N_NEIGHBORS = 7

def setup_inputs(seed: int = 0) -> dict:
    key = jax.random.key(seed)
    k1, k2, k3 = jax.random.split(key, 3)
    X = jax.random.normal(k1, (1024, 128), dtype=jnp.float32)
    X_train = jax.random.normal(k2, (100000, 128), dtype=jnp.float32)
    y_train = jax.random.normal(k3, (100000, 1), dtype=jnp.float32)
    return {"X": X, "X_train": X_train, "y_train": y_train}

def reference(X, X_train, y_train):
    # torch.cdist: pairwise Euclidean distances [Q, K]
    x2 = jnp.sum(X * X, axis=1, keepdims=True)            # [Q, 1]
    t2 = jnp.sum(X_train * X_train, axis=1)               # [K]
    sq = x2 + t2[None, :] - 2.0 * (X @ X_train.T)         # [Q, K]
    distances = jnp.sqrt(jnp.maximum(sq, 0.0))
    # topk smallest -> top_k of negated distances
    _, indices = jax.lax.top_k(-distances, N_NEIGHBORS)   # [Q, k]
    neighbor_values = jnp.take(y_train, indices, axis=0)  # [Q, k, 1]
    predictions = jnp.mean(neighbor_values, axis=1)       # [Q, 1]
    return predictions

if __name__ == "__main__":
    import jax
    _d = setup_inputs()
    print(jax.jit(kernel)(*tuple(_d.values())))

</pallas_src>

<mosaic_0001>
#map = affine_map<(d0, d1) -> (0)>
#map1 = affine_map<(d0, d1) -> (0, 0, 0)>
module attributes {stable_mosaic.version = 14 : i64} {
  func.func @gather_mean(%arg0: i32, %arg1: i32, %arg2: memref<100000xf32, #tpu.memory_space<hbm>>, %arg3: memref<32x7x32xi32, #tpu.memory_space<hbm>>, %arg4: memref<1024xf32, #tpu.memory_space<hbm>>, %arg5: memref<100000xf32, #tpu.memory_space<vmem>>, %arg6: memref<7x32xi32, #tpu.memory_space<vmem>>, %arg7: memref<32xf32, #tpu.memory_space<vmem>>) attributes {dimension_semantics = [#tpu.dimension_semantics<core_parallel>, #tpu.dimension_semantics<subcore_parallel>], iteration_bounds = array<i64: 2, 16>, scalar_prefetch = 0 : i64, scratch_operands = 3 : i64, tpu.core_type = #tpu.core_type<sc_vector_subcore>, window_params = [{transform_indices = #map}, {transform_indices = #map1}, {transform_indices = #map}]} {
    %mul3A = arith.constant 2 : i32
    %mul3A_0 = arith.muli %arg1, %mul3A : i32
    %add3A = arith.addi %mul3A_0, %arg0 : i32
    "tpu.region"() ({
      %run_scoped3A = tpu.sem_alloc : memref<!tpu.dma_semaphore, #tpu.memory_space<semaphore_mem>>
      tpu.enqueue_dma source(%arg2 : memref<100000xf32, #tpu.memory_space<hbm>>) target(%arg5 : memref<100000xf32, #tpu.memory_space<vmem>>) target_semaphore(%run_scoped3A : memref<!tpu.dma_semaphore, #tpu.memory_space<semaphore_mem>>)
      tpu.wait_dma2 semaphore(%run_scoped3A : memref<!tpu.dma_semaphore, #tpu.memory_space<semaphore_mem>>) src(%arg2 : memref<100000xf32, #tpu.memory_space<hbm>>) dst(%arg5 : memref<100000xf32, #tpu.memory_space<vmem>>)
      tpu.yield
    }) : () -> ()
    "tpu.region"() ({
      %run_scoped3A = tpu.sem_alloc : memref<!tpu.dma_semaphore, #tpu.memory_space<semaphore_mem>>
      %dma_start3A = arith.constant 0 : i32
      %dma_start3A_97 = arith.constant 0 : i32
      %dma_start3A_98 = tpu.memref_slice %arg3[%add3A, %dma_start3A, %dma_start3A_97] : memref<32x7x32xi32, #tpu.memory_space<hbm>> -> memref<1x7x32xi32, #tpu.memory_space<hbm>>
      %dma_start3A_99 = tpu.memref_squeeze %dma_start3A_98 : memref<1x7x32xi32, #tpu.memory_space<hbm>> -> memref<7x32xi32, #tpu.memory_space<hbm>>
      %dma_start3A_100 = arith.constant 0 : i32
      %dma_start3A_101 = arith.constant 0 : i32
      %dma_start3A_102 = tpu.memref_slice %arg3[%add3A, %dma_start3A_100, %dma_start3A_101] : memref<32x7x32xi32, #tpu.memory_space<hbm>> -> memref<1x7x32xi32, #tpu.memory_space<hbm>>
      %dma_start3A_103 = tpu.memref_squeeze %dma_start3A_102 : memref<1x7x32xi32, #tpu.memory_space<hbm>> -> memref<7x32xi32, #tpu.memory_space<hbm>>
      tpu.enqueue_dma source(%dma_start3A_103 : memref<7x32xi32, #tpu.memory_space<hbm>>) target(%arg6 : memref<7x32xi32, #tpu.memory_space<vmem>>) target_semaphore(%run_scoped3A : memref<!tpu.dma_semaphore, #tpu.memory_space<semaphore_mem>>)
      %dma_wait3A = arith.constant 0 : i32
      %dma_wait3A_104 = arith.constant 0 : i32
      %dma_wait3A_105 = tpu.memref_slice %arg3[%add3A, %dma_wait3A, %dma_wait3A_104] : memref<32x7x32xi32, #tpu.memory_space<hbm>> -> memref<1x7x32xi32, #tpu.memory_space<hbm>>
      %dma_wait3A_106 = tpu.memref_squeeze %dma_wait3A_105 : memref<1x7x32xi32, #tpu.memory_space<hbm>> -> memref<7x32xi32, #tpu.memory_space<hbm>>
      %dma_wait3A_107 = arith.constant 0 : i32
      %dma_wait3A_108 = arith.constant 0 : i32
      %dma_wait3A_109 = tpu.memref_slice %arg3[%add3A, %dma_wait3A_107, %dma_wait3A_108] : memref<32x7x32xi32, #tpu.memory_space<hbm>> -> memref<1x7x32xi32, #tpu.memory_space<hbm>>
      %dma_wait3A_110 = tpu.memref_squeeze %dma_wait3A_109 : memref<1x7x32xi32, #tpu.memory_space<hbm>> -> memref<7x32xi32, #tpu.memory_space<hbm>>
      tpu.wait_dma2 semaphore(%run_scoped3A : memref<!tpu.dma_semaphore, #tpu.memory_space<semaphore_mem>>) src(%dma_wait3A_110 : memref<7x32xi32, #tpu.memory_space<hbm>>) dst(%arg6 : memref<7x32xi32, #tpu.memory_space<vmem>>)
      tpu.yield
    }) : () -> ()
    %broadcast_in_dim3A = arith.constant 0.000000e+00 : f32
    %broadcast_in_dim3A_1 = vector.broadcast %broadcast_in_dim3A : f32 to vector<16xf32>
    %get3A = arith.constant 0 : i32
    %get3A_2 = arith.index_cast %get3A : i32 to index
    %get3A_3 = arith.constant 0 : index
    %get3A_4 = tpu.vector_load %arg6[%get3A_2, %get3A_3] {strides = array<i32>} : memref<7x32xi32, #tpu.memory_space<vmem>>, vector<16xi32>,
    %gather3A = tpu.vector_load_idx %arg5[%get3A_4] : memref<100000xf32, #tpu.memory_space<vmem>>[vector<16xi32>], vector<16xf32>,
    %add3A_5 = arith.addf %broadcast_in_dim3A_1, %gather3A : vector<16xf32>
    %get3A_6 = arith.constant 1 : i32
    %get3A_7 = arith.index_cast %get3A_6 : i32 to index
    %get3A_8 = arith.constant 0 : index
    %get3A_9 = tpu.vector_load %arg6[%get3A_7, %get3A_8] {strides = array<i32>} : memref<7x32xi32, #tpu.memory_space<vmem>>, vector<16xi32>,
    %gather3A_10 = tpu.vector_load_idx %arg5[%get3A_9] : memref<100000xf32, #tpu.memory_space<vmem>>[vector<16xi32>], vector<16xf32>,
    %add3A_11 = arith.addf %add3A_5, %gather3A_10 : vector<16xf32>
    %get3A_12 = arith.constant 2 : i32
    %get3A_13 = arith.index_cast %get3A_12 : i32 to index
    %get3A_14 = arith.constant 0 : index
    %get3A_15 = tpu.vector_load %arg6[%get3A_13, %get3A_14] {strides = array<i32>} : memref<7x32xi32, #tpu.memory_space<vmem>>, vector<16xi32>,
    %gather3A_16 = tpu.vector_load_idx %arg5[%get3A_15] : memref<100000xf32, #tpu.memory_space<vmem>>[vector<16xi32>], vector<16xf32>,
    %add3A_17 = arith.addf %add3A_11, %gather3A_16 : vector<16xf32>
    %get3A_18 = arith.constant 3 : i32
    %get3A_19 = arith.index_cast %get3A_18 : i32 to index
    %get3A_20 = arith.constant 0 : index
    %get3A_21 = tpu.vector_load %arg6[%get3A_19, %get3A_20] {strides = array<i32>} : memref<7x32xi32, #tpu.memory_space<vmem>>, vector<16xi32>,
    %gather3A_22 = tpu.vector_load_idx %arg5[%get3A_21] : memref<100000xf32, #tpu.memory_space<vmem>>[vector<16xi32>], vector<16xf32>,
    %add3A_23 = arith.addf %add3A_17, %gather3A_22 : vector<16xf32>
    %get3A_24 = arith.constant 4 : i32
    %get3A_25 = arith.index_cast %get3A_24 : i32 to index
    %get3A_26 = arith.constant 0 : index
    %get3A_27 = tpu.vector_load %arg6[%get3A_25, %get3A_26] {strides = array<i32>} : memref<7x32xi32, #tpu.memory_space<vmem>>, vector<16xi32>,
    %gather3A_28 = tpu.vector_load_idx %arg5[%get3A_27] : memref<100000xf32, #tpu.memory_space<vmem>>[vector<16xi32>], vector<16xf32>,
    %add3A_29 = arith.addf %add3A_23, %gather3A_28 : vector<16xf32>
    %get3A_30 = arith.constant 5 : i32
    %get3A_31 = arith.index_cast %get3A_30 : i32 to index
    %get3A_32 = arith.constant 0 : index
    %get3A_33 = tpu.vector_load %arg6[%get3A_31, %get3A_32] {strides = array<i32>} : memref<7x32xi32, #tpu.memory_space<vmem>>, vector<16xi32>,
    %gather3A_34 = tpu.vector_load_idx %arg5[%get3A_33] : memref<100000xf32, #tpu.memory_space<vmem>>[vector<16xi32>], vector<16xf32>,
    %add3A_35 = arith.addf %add3A_29, %gather3A_34 : vector<16xf32>
    %get3A_36 = arith.constant 6 : i32
    %get3A_37 = arith.index_cast %get3A_36 : i32 to index
    %get3A_38 = arith.constant 0 : index
    %get3A_39 = tpu.vector_load %arg6[%get3A_37, %get3A_38] {strides = array<i32>} : memref<7x32xi32, #tpu.memory_space<vmem>>, vector<16xi32>,
    %gather3A_40 = tpu.vector_load_idx %arg5[%get3A_39] : memref<100000xf32, #tpu.memory_space<vmem>>[vector<16xi32>], vector<16xf32>,
    %add3A_41 = arith.addf %add3A_35, %gather3A_40 : vector<16xf32>
    %mul3A_42 = arith.constant 0.142857149 : f32
    %mul3A_43 = vector.broadcast %mul3A_42 : f32 to vector<16xf32>
    %mul3A_44 = arith.mulf %add3A_41, %mul3A_43 : vector<16xf32>
    %swap3A = arith.constant 0 : index
    %swap3A_45 = tpu.vector_load %arg7[%swap3A] {strides = array<i32>} : memref<32xf32, #tpu.memory_space<vmem>>, vector<16xf32>,
    tpu.vector_store %arg7[%swap3A], %mul3A_44 {strides = array<i32>} : memref<32xf32, #tpu.memory_space<vmem>>, vector<16xf32>,
    %broadcast_in_dim3A_46 = arith.constant 0.000000e+00 : f32
    %broadcast_in_dim3A_47 = vector.broadcast %broadcast_in_dim3A_46 : f32 to vector<16xf32>
    %get3A_48 = arith.constant 0 : i32
    %get3A_49 = arith.index_cast %get3A_48 : i32 to index
    %get3A_50 = arith.constant 16 : index
    %get3A_51 = tpu.vector_load %arg6[%get3A_49, %get3A_50] {strides = array<i32>} : memref<7x32xi32, #tpu.memory_space<vmem>>, vector<16xi32>,
    %gather3A_52 = tpu.vector_load_idx %arg5[%get3A_51] : memref<100000xf32, #tpu.memory_space<vmem>>[vector<16xi32>], vector<16xf32>,
    %add3A_53 = arith.addf %broadcast_in_dim3A_47, %gather3A_52 : vector<16xf32>
    %get3A_54 = arith.constant 1 : i32
    %get3A_55 = arith.index_cast %get3A_54 : i32 to index
    %get3A_56 = arith.constant 16 : index
    %get3A_57 = tpu.vector_load %arg6[%get3A_55, %get3A_56] {strides = array<i32>} : memref<7x32xi32, #tpu.memory_space<vmem>>, vector<16xi32>,
    %gather3A_58 = tpu.vector_load_idx %arg5[%get3A_57] : memref<100000xf32, #tpu.memory_space<vmem>>[vector<16xi32>], vector<16xf32>,
    %add3A_59 = arith.addf %add3A_53, %gather3A_58 : vector<16xf32>
    %get3A_60 = arith.constant 2 : i32
    %get3A_61 = arith.index_cast %get3A_60 : i32 to index
    %get3A_62 = arith.constant 16 : index
    %get3A_63 = tpu.vector_load %arg6[%get3A_61, %get3A_62] {strides = array<i32>} : memref<7x32xi32, #tpu.memory_space<vmem>>, vector<16xi32>,
    %gather3A_64 = tpu.vector_load_idx %arg5[%get3A_63] : memref<100000xf32, #tpu.memory_space<vmem>>[vector<16xi32>], vector<16xf32>,
    %add3A_65 = arith.addf %add3A_59, %gather3A_64 : vector<16xf32>
    %get3A_66 = arith.constant 3 : i32
    %get3A_67 = arith.index_cast %get3A_66 : i32 to index
    %get3A_68 = arith.constant 16 : index
    %get3A_69 = tpu.vector_load %arg6[%get3A_67, %get3A_68] {strides = array<i32>} : memref<7x32xi32, #tpu.memory_space<vmem>>, vector<16xi32>,
    %gather3A_70 = tpu.vector_load_idx %arg5[%get3A_69] : memref<100000xf32, #tpu.memory_space<vmem>>[vector<16xi32>], vector<16xf32>,
    %add3A_71 = arith.addf %add3A_65, %gather3A_70 : vector<16xf32>
    %get3A_72 = arith.constant 4 : i32
    %get3A_73 = arith.index_cast %get3A_72 : i32 to index
    %get3A_74 = arith.constant 16 : index
    %get3A_75 = tpu.vector_load %arg6[%get3A_73, %get3A_74] {strides = array<i32>} : memref<7x32xi32, #tpu.memory_space<vmem>>, vector<16xi32>,
    %gather3A_76 = tpu.vector_load_idx %arg5[%get3A_75] : memref<100000xf32, #tpu.memory_space<vmem>>[vector<16xi32>], vector<16xf32>,
    %add3A_77 = arith.addf %add3A_71, %gather3A_76 : vector<16xf32>
    %get3A_78 = arith.constant 5 : i32
    %get3A_79 = arith.index_cast %get3A_78 : i32 to index
    %get3A_80 = arith.constant 16 : index
    %get3A_81 = tpu.vector_load %arg6[%get3A_79, %get3A_80] {strides = array<i32>} : memref<7x32xi32, #tpu.memory_space<vmem>>, vector<16xi32>,
    %gather3A_82 = tpu.vector_load_idx %arg5[%get3A_81] : memref<100000xf32, #tpu.memory_space<vmem>>[vector<16xi32>], vector<16xf32>,
    %add3A_83 = arith.addf %add3A_77, %gather3A_82 : vector<16xf32>
    %get3A_84 = arith.constant 6 : i32
    %get3A_85 = arith.index_cast %get3A_84 : i32 to index
    %get3A_86 = arith.constant 16 : index
    %get3A_87 = tpu.vector_load %arg6[%get3A_85, %get3A_86] {strides = array<i32>} : memref<7x32xi32, #tpu.memory_space<vmem>>, vector<16xi32>,
    %gather3A_88 = tpu.vector_load_idx %arg5[%get3A_87] : memref<100000xf32, #tpu.memory_space<vmem>>[vector<16xi32>], vector<16xf32>,
    %add3A_89 = arith.addf %add3A_83, %gather3A_88 : vector<16xf32>
    %mul3A_90 = arith.constant 0.142857149 : f32
    %mul3A_91 = vector.broadcast %mul3A_90 : f32 to vector<16xf32>
    %mul3A_92 = arith.mulf %add3A_89, %mul3A_91 : vector<16xf32>
    %swap3A_93 = arith.constant 16 : index
    %swap3A_94 = tpu.vector_load %arg7[%swap3A_93] {strides = array<i32>} : memref<32xf32, #tpu.memory_space<vmem>>, vector<16xf32>,
    tpu.vector_store %arg7[%swap3A_93], %mul3A_92 {strides = array<i32>} : memref<32xf32, #tpu.memory_space<vmem>>, vector<16xf32>,
    %mul3A_95 = arith.constant 32 : i32
    %mul3A_96 = arith.muli %add3A, %mul3A_95 : i32
    "tpu.region"() ({
      %run_scoped3A = tpu.sem_alloc : memref<!tpu.dma_semaphore, #tpu.memory_space<semaphore_mem>>
      %dma_start3A = tpu.memref_slice %arg4[%mul3A_96] : memref<1024xf32, #tpu.memory_space<hbm>> -> memref<32xf32, #tpu.memory_space<hbm>>
      %dma_start3A_97 = tpu.memref_slice %arg4[%mul3A_96] : memref<1024xf32, #tpu.memory_space<hbm>> -> memref<32xf32, #tpu.memory_space<hbm>>
      tpu.enqueue_dma source(%arg7 : memref<32xf32, #tpu.memory_space<vmem>>) target(%dma_start3A_97 : memref<32xf32, #tpu.memory_space<hbm>>) target_semaphore(%run_scoped3A : memref<!tpu.dma_semaphore, #tpu.memory_space<semaphore_mem>>)
      %dma_wait3A = tpu.memref_slice %arg4[%mul3A_96] : memref<1024xf32, #tpu.memory_space<hbm>> -> memref<32xf32, #tpu.memory_space<hbm>>
      %dma_wait3A_98 = tpu.memref_slice %arg4[%mul3A_96] : memref<1024xf32, #tpu.memory_space<hbm>> -> memref<32xf32, #tpu.memory_space<hbm>>
      tpu.wait_dma2 semaphore(%run_scoped3A : memref<!tpu.dma_semaphore, #tpu.memory_space<semaphore_mem>>) src(%arg7 : memref<32xf32, #tpu.memory_space<vmem>>) dst(%dma_wait3A_98 : memref<32xf32, #tpu.memory_space<hbm>>)
      tpu.yield
    }) : () -> ()
    return
  }
}

module attributes {stable_mosaic.version = 14 : i64} {
  func.func @_topk_body(%arg0: i32, %arg1: memref<1024x128xbf16, #tpu.memory_space<vmem>>, %arg2: memref<2000x128xbf16, #tpu.memory_space<vmem>>, %arg3: memref<1024x1xf32, #tpu.memory_space<vmem>>, %arg4: memref<1x1x2000xf32, #tpu.memory_space<vmem>>, %arg5: memref<1024x128xi32, #tpu.memory_space<vmem>>, %arg6: memref<1024x128xf32, #tpu.memory_space<vmem>>, %arg7: memref<1024x128xf32, #tpu.memory_space<vmem>>, %arg8: memref<1024x2000xf32, #tpu.memory_space<vmem>>, %arg9: memref<1024x8xf32, #tpu.memory_space<vmem>>, %arg10: memref<1024x8xf32, #tpu.memory_space<vmem>>, %arg11: memref<1xi32, #tpu.memory_space<smem>>) attributes {dimension_semantics = [#tpu.dimension_semantics<arbitrary>], iteration_bounds = array<i64: 50>, scalar_prefetch = 0 : i64, scratch_operands = 6 : i64, tpu.core_type = #tpu.core_type<tc>, window_params = [{pipeline_mode = #tpu.pipeline_mode<synchronous>, transform_indices = @transform_0, window_bounds = array<i64: 1024, 128>}, {transform_indices = @transform_1, window_bounds = array<i64: 2000, 128>}, {pipeline_mode = #tpu.pipeline_mode<synchronous>, transform_indices = @transform_2, window_bounds = array<i64: 1024, 1>}, {transform_indices = @transform_3, window_bounds = array<i64: 1, 1, 2000>}, {pipeline_mode = #tpu.pipeline_mode<synchronous>, transform_indices = @transform_4, window_bounds = array<i64: 1024, 128>}]} {
    %eq3A = arith.constant 0 : i32
    %eq3A_0 = arith.cmpi eq, %arg0, %eq3A : i32
    %convert_element_type3A = arith.extui %eq3A_0 : i1 to i32
    %cond3A = arith.constant 0 : i32
    %cond3A_1 = arith.cmpi ne, %convert_element_type3A, %cond3A : i32
    scf.if %cond3A_1 {
      %broadcast_in_dim3A_243 = arith.constant 0x7F800000 : f32
      %broadcast_in_dim3A_244 = vector.broadcast %broadcast_in_dim3A_243 : f32 to vector<1024x128xf32>
      %swap3A_245 = arith.constant 0 : index
      %swap3A_246 = arith.constant 0 : index
      %swap3A_247 = vector.load %arg6[%swap3A_245, %swap3A_246] : memref<1024x128xf32, #tpu.memory_space<vmem>>, vector<1024x128xf32>
      tpu.vector_store %arg6[%swap3A_245, %swap3A_246], %broadcast_in_dim3A_244 {strides = array<i32>} : memref<1024x128xf32, #tpu.memory_space<vmem>>, vector<1024x128xf32>,
      %broadcast_in_dim3A_248 = arith.constant 0.000000e+00 : f32
      %broadcast_in_dim3A_249 = vector.broadcast %broadcast_in_dim3A_248 : f32 to vector<1024x128xf32>
      %swap3A_250 = arith.constant 0 : index
      %swap3A_251 = arith.constant 0 : index
      %swap3A_252 = vector.load %arg7[%swap3A_250, %swap3A_251] : memref<1024x128xf32, #tpu.memory_space<vmem>>, vector<1024x128xf32>
      tpu.vector_store %arg7[%swap3A_250, %swap3A_251], %broadcast_in_dim3A_249 {strides = array<i32>} : memref<1024x128xf32, #tpu.memory_space<vmem>>, vector<1024x128xf32>,
    } else {
    }
    %get3A = arith.constant 0 : index
    %get3A_2 = arith.constant 0 : index
    %get3A_3 = vector.load %arg1[%get3A, %get3A_2] : memref<1024x128xbf16, #tpu.memory_space<vmem>>, vector<1024x128xbf16>
    %get3A_4 = arith.constant 0 : index
    %get3A_5 = arith.constant 0 : index
    %get3A_6 = vector.load %arg2[%get3A_4, %get3A_5] : memref<2000x128xbf16, #tpu.memory_space<vmem>>, vector<2000x128xbf16>
    %dot_general3A = arith.constant dense<0.000000e+00> : vector<1024x2000xf32>
    %dot_general3A_7 = tpu.matmul %get3A_3, %get3A_6, %dot_general3A {dimension_numbers = #tpu.dot_dimension_numbers<[1], [1], [0], [0], [0, 0, 1, 0], [], []>, transpose_lhs_hint = false} : vector<1024x128xbf16>, vector<2000x128xbf16>, vector<1024x2000xf32> -> vector<1024x2000xf32>
    %get3A_8 = arith.constant 0 : index
    %get3A_9 = arith.constant 0 : index
    %get3A_10 = vector.load %arg3[%get3A_8, %get3A_9] : memref<1024x1xf32, #tpu.memory_space<vmem>>, vector<1024x1xf32>
    %get3A_11 = arith.constant 0 : index
    %get3A_12 = arith.constant 0 : index
    %get3A_13 = arith.constant 0 : index
    %get3A_14 = vector.load %arg4[%get3A_11, %get3A_12, %get3A_13] : memref<1x1x2000xf32, #tpu.memory_space<vmem>>, vector<1x1x2000xf32>
    %get3A_15 = vector.shape_cast %get3A_14 : vector<1x1x2000xf32> to vector<1x2000xf32>
    %add3A = vector.broadcast %get3A_10 : vector<1024x1xf32> to vector<1024x2000xf32>
    %add3A_16 = vector.broadcast %get3A_15 : vector<1x2000xf32> to vector<1024x2000xf32>
    %add3A_17 = arith.addf %add3A, %add3A_16 : vector<1024x2000xf32>
    %mul3A = arith.constant 2.000000e+00 : f32
    %mul3A_18 = vector.broadcast %mul3A : f32 to vector<1024x2000xf32>
    %mul3A_19 = arith.mulf %mul3A_18, %dot_general3A_7 : vector<1024x2000xf32>
    %sub3A = arith.subf %add3A_17, %mul3A_19 : vector<1024x2000xf32>
    %swap3A = arith.constant 0 : index
    %swap3A_20 = arith.constant 0 : index
    %swap3A_21 = vector.load %arg8[%swap3A, %swap3A_20] : memref<1024x2000xf32, #tpu.memory_space<vmem>>, vector<1024x2000xf32>
    tpu.vector_store %arg8[%swap3A, %swap3A_20], %sub3A {strides = array<i32>} : memref<1024x2000xf32, #tpu.memory_space<vmem>>, vector<1024x2000xf32>,
    %mul3A_22 = arith.constant 2000 : i32
    %mul3A_23 = arith.muli %arg0, %mul3A_22 : i32
    %convert_element_type3A_24 = arith.sitofp %mul3A_23 : i32 to f32
    %iota3A = tpu.iota {dimensions = array<i32: 1>} : vector<1024x2000xi32>
    %convert_element_type3A_25 = arith.sitofp %iota3A : vector<1024x2000xi32> to vector<1024x2000xf32>
    %add3A_26 = vector.broadcast %convert_element_type3A_24 : f32 to vector<1024x2000xf32>
    %add3A_27 = arith.addf %add3A_26, %convert_element_type3A_25 : vector<1024x2000xf32>
    %get3A_28 = arith.constant 0 : index
    %get3A_29 = arith.constant 6 : index
    %get3A_30 = vector.load %arg6[%get3A_28, %get3A_29] : memref<1024x128xf32, #tpu.memory_space<vmem>>, vector<1024x1xf32>
    %broadcast_in_dim3A = arith.constant 0x7F800000 : f32
    %broadcast_in_dim3A_31 = vector.broadcast %broadcast_in_dim3A : f32 to vector<1024x8xf32>
    %swap3A_32 = arith.constant 0 : index
    %swap3A_33 = arith.constant 0 : index
    %swap3A_34 = vector.load %arg9[%swap3A_32, %swap3A_33] : memref<1024x8xf32, #tpu.memory_space<vmem>>, vector<1024x8xf32>
    tpu.vector_store %arg9[%swap3A_32, %swap3A_33], %broadcast_in_dim3A_31 {strides = array<i32>} : memref<1024x8xf32, #tpu.memory_space<vmem>>, vector<1024x8xf32>,
    %broadcast_in_dim3A_35 = arith.constant 0.000000e+00 : f32
    %broadcast_in_dim3A_36 = vector.broadcast %broadcast_in_dim3A_35 : f32 to vector<1024x8xf32>
    %swap3A_37 = arith.constant 0 : index
    %swap3A_38 = arith.constant 0 : index
    %swap3A_39 = vector.load %arg10[%swap3A_37, %swap3A_38] : memref<1024x8xf32, #tpu.memory_space<vmem>>, vector<1024x8xf32>
    tpu.vector_store %arg10[%swap3A_37, %swap3A_38], %broadcast_in_dim3A_36 {strides = array<i32>} : memref<1024x8xf32, #tpu.memory_space<vmem>>, vector<1024x8xf32>,
    %swap3A_40 = arith.constant 1 : i32
    %swap3A_41 = arith.constant 0 : index
    %swap3A_42 = memref.load %arg11[%swap3A_41] : memref<1xi32, #tpu.memory_space<smem>>
    memref.store %swap3A_40, %arg11[%swap3A_41] : memref<1xi32, #tpu.memory_space<smem>>
    %get3A_43 = arith.constant 0 : index
    %get3A_44 = memref.load %arg11[%get3A_43] : memref<1xi32, #tpu.memory_space<smem>>
    %ne3A = arith.constant 0 : i32
    %ne3A_45 = arith.cmpi ne, %get3A_44, %ne3A : i32
    %convert_element_type3A_46 = arith.extui %ne3A_45 : i1 to i32
    %cond3A_47 = arith.constant 0 : i32
    %cond3A_48 = arith.cmpi ne, %convert_element_type3A_46, %cond3A_47 : i32
    scf.if %cond3A_48 {
      %get3A_243 = arith.constant 0 : index
      %get3A_244 = arith.constant 0 : index
      %get3A_245 = vector.load %arg8[%get3A_243, %get3A_244] : memref<1024x2000xf32, #tpu.memory_space<vmem>>, vector<1024x2000xf32>
      %reduce_min3A_246 = arith.constant dense<0x7F800000> : vector<1024xf32>
      %reduce_min3A_247 = vector.multi_reduction <minimumf>, %get3A_245, %reduce_min3A_246 [1] : vector<1024x2000xf32> to vector<1024xf32>
      %broadcast_in_dim3A_248 = vector.shape_cast %reduce_min3A_247 : vector<1024xf32> to vector<1024x1xf32>
      %le3A = arith.cmpf ole, %broadcast_in_dim3A_248, %get3A_30 : vector<1024x1xf32>
      %reduce_or3A = arith.constant 1.000000e+00 : f32
      %reduce_or3A_249 = arith.constant 0.000000e+00 : f32
      %reduce_or3A_250 = vector.broadcast %reduce_or3A : f32 to vector<1024x1xf32>
      %reduce_or3A_251 = vector.broadcast %reduce_or3A_249 : f32 to vector<1024x1xf32>
      %reduce_or3A_252 = arith.select %le3A, %reduce_or3A_250, %reduce_or3A_251 : vector<1024x1xi1>, vector<1024x1xf32>
      %reduce_or3A_253 = vector.shape_cast %reduce_or3A_252 : vector<1024x1xf32> to vector<1x1024x1xf32>
      %reduce_or3A_254 = arith.constant dense<0xFF800000> : vector<1xf32>
      %reduce_or3A_255 = vector.multi_reduction <maximumf>, %reduce_or3A_253, %reduce_or3A_254 [1, 2] : vector<1x1024x1xf32> to vector<1xf32>
      %reduce_or3A_256 = vector.shape_cast %reduce_or3A_255 : vector<1xf32> to vector<1x1x1xf32>
      %reduce_or3A_257 = vector.extract %reduce_or3A_256[0, 0, 0] : f32 from vector<1x1x1xf32>
      %reduce_or3A_258 = arith.constant 0.000000e+00 : f32
      %reduce_or3A_259 = arith.cmpf ogt, %reduce_or3A_257, %reduce_or3A_258 : f32
      %convert_element_type3A_260 = arith.extui %reduce_or3A_259 : i1 to i32
      %swap3A_261 = arith.constant 0 : index
      %swap3A_262 = memref.load %arg11[%swap3A_261] : memref<1xi32, #tpu.memory_space<smem>>
      memref.store %convert_element_type3A_260, %arg11[%swap3A_261] : memref<1xi32, #tpu.memory_space<smem>>
      %eq3A_263 = vector.broadcast %broadcast_in_dim3A_248 : vector<1024x1xf32> to vector<1024x2000xf32>
      %eq3A_264 = arith.cmpf oeq, %get3A_245, %eq3A_263 : vector<1024x2000xf32>
      %jit3A_265 = arith.constant 1.000000e+09 : f32
      %broadcast_in_dim3A_266 = vector.broadcast %jit3A_265 : f32 to vector<1024x2000xf32>
      %select_n3A_267 = arith.select %eq3A_264, %add3A_27, %broadcast_in_dim3A_266 : vector<1024x2000xi1>, vector<1024x2000xf32>
      %reduce_min3A_268 = arith.constant dense<0x7F800000> : vector<1024xf32>
      %reduce_min3A_269 = vector.multi_reduction <minimumf>, %select_n3A_267, %reduce_min3A_268 [1] : vector<1024x2000xf32> to vector<1024xf32>
      %broadcast_in_dim3A_270 = vector.shape_cast %reduce_min3A_269 : vector<1024xf32> to vector<1024x1xf32>
      %swap3A_271 = arith.constant 0 : index
      %swap3A_272 = arith.constant 0 : index
      %swap3A_273 = vector.load %arg9[%swap3A_271, %swap3A_272] : memref<1024x8xf32, #tpu.memory_space<vmem>>, vector<1024x1xf32>
      tpu.vector_store %arg9[%swap3A_271, %swap3A_272], %broadcast_in_dim3A_248 {strides = array<i32>} : memref<1024x8xf32, #tpu.memory_space<vmem>>, vector<1024x1xf32>,
      %swap3A_274 = arith.constant 0 : index
      %swap3A_275 = arith.constant 0 : index
      %swap3A_276 = vector.load %arg10[%swap3A_274, %swap3A_275] : memref<1024x8xf32, #tpu.memory_space<vmem>>, vector<1024x1xf32>
      tpu.vector_store %arg10[%swap3A_274, %swap3A_275], %broadcast_in_dim3A_270 {strides = array<i32>} : memref<1024x8xf32, #tpu.memory_space<vmem>>, vector<1024x1xf32>,
      %jit3A_277 = arith.constant 0x7F800000 : f32
      %broadcast_in_dim3A_278 = vector.broadcast %jit3A_277 : f32 to vector<1024x2000xf32>
      %select_n3A_279 = arith.select %eq3A_264, %broadcast_in_dim3A_278, %get3A_245 : vector<1024x2000xi1>, vector<1024x2000xf32>
      %swap3A_280 = arith.constant 0 : index
      %swap3A_281 = arith.constant 0 : index
      %swap3A_282 = vector.load %arg8[%swap3A_280, %swap3A_281] : memref<1024x2000xf32, #tpu.memory_space<vmem>>, vector<1024x2000xf32>
      tpu.vector_store %arg8[%swap3A_280, %swap3A_281], %select_n3A_279 {strides = array<i32>} : memref<1024x2000xf32, #tpu.memory_space<vmem>>, vector<1024x2000xf32>,
    } else {
    }
    %get3A_49 = arith.constant 0 : index
    %get3A_50 = memref.load %arg11[%get3A_49] : memref<1xi32, #tpu.memory_space<smem>>
    %ne3A_51 = arith.constant 0 : i32
    %ne3A_52 = arith.cmpi ne, %get3A_50, %ne3A_51 : i32
    %convert_element_type3A_53 = arith.extui %ne3A_52 : i1 to i32
    %cond3A_54 = arith.constant 0 : i32
    %cond3A_55 = arith.cmpi ne, %convert_element_type3A_53, %cond3A_54 : i32
    scf.if %cond3A_55 {
      %get3A_243 = arith.constant 0 : index
      %get3A_244 = arith.constant 0 : index
      %get3A_245 = vector.load %arg8[%get3A_243, %get3A_244] : memref<1024x2000xf32, #tpu.memory_space<vmem>>, vector<1024x2000xf32>
      %reduce_min3A_246 = arith.constant dense<0x7F800000> : vector<1024xf32>
      %reduce_min3A_247 = vector.multi_reduction <minimumf>, %get3A_245, %reduce_min3A_246 [1] : vector<1024x2000xf32> to vector<1024xf32>
      %broadcast_in_dim3A_248 = vector.shape_cast %reduce_min3A_247 : vector<1024xf32> to vector<1024x1xf32>
      %le3A = arith.cmpf ole, %broadcast_in_dim3A_248, %get3A_30 : vector<1024x1xf32>
      %reduce_or3A = arith.constant 1.000000e+00 : f32
      %reduce_or3A_249 = arith.constant 0.000000e+00 : f32
      %reduce_or3A_250 = vector.broadcast %reduce_or3A : f32 to vector<1024x1xf32>
      %reduce_or3A_251 = vector.broadcast %reduce_or3A_249 : f32 to vector<1024x1xf32>
      %reduce_or3A_252 = arith.select %le3A, %reduce_or3A_250, %reduce_or3A_251 : vector<1024x1xi1>, vector<1024x1xf32>
      %reduce_or3A_253 = vector.shape_cast %reduce_or3A_252 : vector<1024x1xf32> to vector<1x1024x1xf32>
      %reduce_or3A_254 = arith.constant dense<0xFF800000> : vector<1xf32>
      %reduce_or3A_255 = vector.multi_reduction <maximumf>, %reduce_or3A_253, %reduce_or3A_254 [1, 2] : vector<1x1024x1xf32> to vector<1xf32>
      %reduce_or3A_256 = vector.shape_cast %reduce_or3A_255 : vector<1xf32> to vector<1x1x1xf32>
      %reduce_or3A_257 = vector.extract %reduce_or3A_256[0, 0, 0] : f32 from vector<1x1x1xf32>
      %reduce_or3A_258 = arith.constant 0.000000e+00 : f32
      %reduce_or3A_259 = arith.cmpf ogt, %reduce_or3A_257, %reduce_or3A_258 : f32
      %convert_element_type3A_260 = arith.extui %reduce_or3A_259 : i1 to i32
      %swap3A_261 = arith.constant 0 : index
      %swap3A_262 = memref.load %arg11[%swap3A_261] : memref<1xi32, #tpu.memory_space<smem>>
      memref.store %convert_element_type3A_260, %arg11[%swap3A_261] : memref<1xi32, #tpu.memory_space<smem>>
      %eq3A_263 = vector.broadcast %broadcast_in_dim3A_248 : vector<1024x1xf32> to vector<1024x2000xf32>
      %eq3A_264 = arith.cmpf oeq, %get3A_245, %eq3A_263 : vector<1024x2000xf32>
      %jit3A_265 = arith.constant 1.000000e+09 : f32
      %broadcast_in_dim3A_266 = vector.broadcast %jit3A_265 : f32 to vector<1024x2000xf32>
      %select_n3A_267 = arith.select %eq3A_264, %add3A_27, %broadcast_in_dim3A_266 : vector<1024x2000xi1>, vector<1024x2000xf32>
      %reduce_min3A_268 = arith.constant dense<0x7F800000> : vector<1024xf32>
      %reduce_min3A_269 = vector.multi_reduction <minimumf>, %select_n3A_267, %reduce_min3A_268 [1] : vector<1024x2000xf32> to vector<1024xf32>
      %broadcast_in_dim3A_270 = vector.shape_cast %reduce_min3A_269 : vector<1024xf32> to vector<1024x1xf32>
      %swap3A_271 = arith.constant 0 : index
      %swap3A_272 = arith.constant 1 : index
      %swap3A_273 = vector.load %arg9[%swap3A_271, %swap3A_272] : memref<1024x8xf32, #tpu.memory_space<vmem>>, vector<1024x1xf32>
      tpu.vector_store %arg9[%swap3A_271, %swap3A_272], %broadcast_in_dim3A_248 {strides = array<i32>} : memref<1024x8xf32, #tpu.memory_space<vmem>>, vector<1024x1xf32>,
      %swap3A_274 = arith.constant 0 : index
      %swap3A_275 = arith.constant 1 : index
      %swap3A_276 = vector.load %arg10[%swap3A_274, %swap3A_275] : memref<1024x8xf32, #tpu.memory_space<vmem>>, vector<1024x1xf32>
      tpu.vector_store %arg10[%swap3A_274, %swap3A_275], %broadcast_in_dim3A_270 {strides = array<i32>} : memref<1024x8xf32, #tpu.memory_space<vmem>>, vector<1024x1xf32>,
      %jit3A_277 = arith.constant 0x7F800000 : f32
      %broadcast_in_dim3A_278 = vector.broadcast %jit3A_277 : f32 to vector<1024x2000xf32>
      %select_n3A_279 = arith.select %eq3A_264, %broadcast_in_dim3A_278, %get3A_245 : vector<1024x2000xi1>, vector<1024x2000xf32>
      %swap3A_280 = arith.constant 0 : index
      %swap3A_281 = arith.constant 0 : index
      %swap3A_282 = vector.load %arg8[%swap3A_280, %swap3A_281] : memref<1024x2000xf32, #tpu.memory_space<vmem>>, vector<1024x2000xf32>
      tpu.vector_store %arg8[%swap3A_280, %swap3A_281], %select_n3A_279 {strides = array<i32>} : memref<1024x2000xf32, #tpu.memory_space<vmem>>, vector<1024x2000xf32>,
    } else {
    }
    %get3A_56 = arith.constant 0 : index
    %get3A_57 = memref.load %arg11[%get3A_56] : memref<1xi32, #tpu.memory_space<smem>>
    %ne3A_58 = arith.constant 0 : i32
    %ne3A_59 = arith.cmpi ne, %get3A_57, %ne3A_58 : i32
    %convert_element_type3A_60 = arith.extui %ne3A_59 : i1 to i32
    %cond3A_61 = arith.constant 0 : i32
    %cond3A_62 = arith.cmpi ne, %convert_element_type3A_60, %cond3A_61 : i32
    scf.if %cond3A_62 {
      %get3A_243 = arith.constant 0 : index
      %get3A_244 = arith.constant 0 : index
      %get3A_245 = vector.load %arg8[%get3A_243, %get3A_244] : memref<1024x2000xf32, #tpu.memory_space<vmem>>, vector<1024x2000xf32>
      %reduce_min3A_246 = arith.constant dense<0x7F800000> : vector<1024xf32>
      %reduce_min3A_247 = vector.multi_reduction <minimumf>, %get3A_245, %reduce_min3A_246 [1] : vector<1024x2000xf32> to vector<1024xf32>
      %broadcast_in_dim3A_248 = vector.shape_cast %reduce_min3A_247 : vector<1024xf32> to vector<1024x1xf32>
      %le3A = arith.cmpf ole, %broadcast_in_dim3A_248, %get3A_30 : vector<1024x1xf32>
      %reduce_or3A = arith.constant 1.000000e+00 : f32
      %reduce_or3A_249 = arith.constant 0.000000e+00 : f32
      %reduce_or3A_250 = vector.broadcast %reduce_or3A : f32 to vector<1024x1xf32>
      %reduce_or3A_251 = vector.broadcast %reduce_or3A_249 : f32 to vector<1024x1xf32>
      %reduce_or3A_252 = arith.select %le3A, %reduce_or3A_250, %reduce_or3A_251 : vector<1024x1xi1>, vector<1024x1xf32>
      %reduce_or3A_253 = vector.shape_cast %reduce_or3A_252 : vector<1024x1xf32> to vector<1x1024x1xf32>
      %reduce_or3A_254 = arith.constant dense<0xFF800000> : vector<1xf32>
      %reduce_or3A_255 = vector.multi_reduction <maximumf>, %reduce_or3A_253, %reduce_or3A_254 [1, 2] : vector<1x1024x1xf32> to vector<1xf32>
      %reduce_or3A_256 = vector.shape_cast %reduce_or3A_255 : vector<1xf32> to vector<1x1x1xf32>
      %reduce_or3A_257 = vector.extract %reduce_or3A_256[0, 0, 0] : f32 from vector<1x1x1xf32>
      %reduce_or3A_258 = arith.constant 0.000000e+00 : f32
      %reduce_or3A_259 = arith.cmpf ogt, %reduce_or3A_257, %reduce_or3A_258 : f32
      %convert_element_type3A_260 = arith.extui %reduce_or3A_259 : i1 to i32
      %swap3A_261 = arith.constant 0 : index
      %swap3A_262 = memref.load %arg11[%swap3A_261] : memref<1xi32, #tpu.memory_space<smem>>
      memref.store %convert_element_type3A_260, %arg11[%swap3A_261] : memref<1xi32, #tpu.memory_space<smem>>
      %eq3A_263 = vector.broadcast %broadcast_in_dim3A_248 : vector<1024x1xf32> to vector<1024x2000xf32>
      %eq3A_264 = arith.cmpf oeq, %get3A_245, %eq3A_263 : vector<1024x2000xf32>
      %jit3A_265 = arith.constant 1.000000e+09 : f32
      %broadcast_in_dim3A_266 = vector.broadcast %jit3A_265 : f32 to vector<1024x2000xf32>
      %select_n3A_267 = arith.select %eq3A_264, %add3A_27, %broadcast_in_dim3A_266 : vector<1024x2000xi1>, vector<1024x2000xf32>
      %reduce_min3A_268 = arith.constant dense<0x7F800000> : vector<1024xf32>
      %reduce_min3A_269 = vector.multi_reduction <minimumf>, %select_n3A_267, %reduce_min3A_268 [1] : vector<1024x2000xf32> to vector<1024xf32>
      %broadcast_in_dim3A_270 = vector.shape_cast %reduce_min3A_269 : vector<1024xf32> to vector<1024x1xf32>
      %swap3A_271 = arith.constant 0 : index
      %swap3A_272 = arith.constant 2 : index
      %swap3A_273 = vector.load %arg9[%swap3A_271, %swap3A_272] : memref<1024x8xf32, #tpu.memory_space<vmem>>, vector<1024x1xf32>
      tpu.vector_store %arg9[%swap3A_271, %swap3A_272], %broadcast_in_dim3A_248 {strides = array<i32>} : memref<1024x8xf32, #tpu.memory_space<vmem>>, vector<1024x1xf32>,
      %swap3A_274 = arith.constant 0 : index
      %swap3A_275 = arith.constant 2 : index
      %swap3A_276 = vector.load %arg10[%swap3A_274, %swap3A_275] : memref<1024x8xf32, #tpu.memory_space<vmem>>, vector<1024x1xf32>
      tpu.vector_store %arg10[%swap3A_274, %swap3A_275], %broadcast_in_dim3A_270 {strides = array<i32>} : memref<1024x8xf32, #tpu.memory_space<vmem>>, vector<1024x1xf32>,
      %jit3A_277 = arith.constant 0x7F800000 : f32
      %broadcast_in_dim3A_278 = vector.broadcast %jit3A_277 : f32 to vector<1024x2000xf32>
      %select_n3A_279 = arith.select %eq3A_264, %broadcast_in_dim3A_278, %get3A_245 : vector<1024x2000xi1>, vector<1024x2000xf32>
      %swap3A_280 = arith.constant 0 : index
      %swap3A_281 = arith.constant 0 : index
      %swap3A_282 = vector.load %arg8[%swap3A_280, %swap3A_281] : memref<1024x2000xf32, #tpu.memory_space<vmem>>, vector<1024x2000xf32>
      tpu.vector_store %arg8[%swap3A_280, %swap3A_281], %select_n3A_279 {strides = array<i32>} : memref<1024x2000xf32, #tpu.memory_space<vmem>>, vector<1024x2000xf32>,
    } else {
    }
    %get3A_63 = arith.constant 0 : index
    %get3A_64 = memref.load %arg11[%get3A_63] : memref<1xi32, #tpu.memory_space<smem>>
    %ne3A_65 = arith.constant 0 : i32
    %ne3A_66 = arith.cmpi ne, %get3A_64, %ne3A_65 : i32
    %convert_element_type3A_67 = arith.extui %ne3A_66 : i1 to i32
    %cond3A_68 = arith.constant 0 : i32
    %cond3A_69 = arith.cmpi ne, %convert_element_type3A_67, %cond3A_68 : i32
    scf.if %cond3A_69 {
      %get3A_243 = arith.constant 0 : index
      %get3A_244 = arith.constant 0 : index
      %get3A_245 = vector.load %arg8[%get3A_243, %get3A_244] : memref<1024x2000xf32, #tpu.memory_space<vmem>>, vector<1024x2000xf32>
      %reduce_min3A_246 = arith.constant dense<0x7F800000> : vector<1024xf32>
      %reduce_min3A_247 = vector.multi_reduction <minimumf>, %get3A_245, %reduce_min3A_246 [1] : vector<1024x2000xf32> to vector<1024xf32>
      %broadcast_in_dim3A_248 = vector.shape_cast %reduce_min3A_247 : vector<1024xf32> to vector<1024x1xf32>
      %le3A = arith.cmpf ole, %broadcast_in_dim3A_248, %get3A_30 : vector<1024x1xf32>
      %reduce_or3A = arith.constant 1.000000e+00 : f32
      %reduce_or3A_249 = arith.constant 0.000000e+00 : f32
      %reduce_or3A_250 = vector.broadcast %reduce_or3A : f32 to vector<1024x1xf32>
      %reduce_or3A_251 = vector.broadcast %reduce_or3A_249 : f32 to vector<1024x1xf32>
      %reduce_or3A_252 = arith.select %le3A, %reduce_or3A_250, %reduce_or3A_251 : vector<1024x1xi1>, vector<1024x1xf32>
      %reduce_or3A_253 = vector.shape_cast %reduce_or3A_252 : vector<1024x1xf32> to vector<1x1024x1xf32>
      %reduce_or3A_254 = arith.constant dense<0xFF800000> : vector<1xf32>
      %reduce_or3A_255 = vector.multi_reduction <maximumf>, %reduce_or3A_253, %reduce_or3A_254 [1, 2] : vector<1x1024x1xf32> to vector<1xf32>
      %reduce_or3A_256 = vector.shape_cast %reduce_or3A_255 : vector<1xf32> to vector<1x1x1xf32>
      %reduce_or3A_257 = vector.extract %reduce_or3A_256[0, 0, 0] : f32 from vector<1x1x1xf32>
      %reduce_or3A_258 = arith.constant 0.000000e+00 : f32
      %reduce_or3A_259 = arith.cmpf ogt, %reduce_or3A_257, %reduce_or3A_258 : f32
      %convert_element_type3A_260 = arith.extui %reduce_or3A_259 : i1 to i32
      %swap3A_261 = arith.constant 0 : index
      %swap3A_262 = memref.load %arg11[%swap3A_261] : memref<1xi32, #tpu.memory_space<smem>>
      memref.store %convert_element_type3A_260, %arg11[%swap3A_261] : memref<1xi32, #tpu.memory_space<smem>>
      %eq3A_263 = vector.broadcast %broadcast_in_dim3A_248 : vector<1024x1xf32> to vector<1024x2000xf32>
      %eq3A_264 = arith.cmpf oeq, %get3A_245, %eq3A_263 : vector<1024x2000xf32>
      %jit3A_265 = arith.constant 1.000000e+09 : f32
      %broadcast_in_dim3A_266 = vector.broadcast %jit3A_265 : f32 to vector<1024x2000xf32>
      %select_n3A_267 = arith.select %eq3A_264, %add3A_27, %broadcast_in_dim3A_266 : vector<1024x2000xi1>, vector<1024x2000xf32>
      %reduce_min3A_268 = arith.constant dense<0x7F800000> : vector<1024xf32>
      %reduce_min3A_269 = vector.multi_reduction <minimumf>, %select_n3A_267, %reduce_min3A_268 [1] : vector<1024x2000xf32> to vector<1024xf32>
      %broadcast_in_dim3A_270 = vector.shape_cast %reduce_min3A_269 : vector<1024xf32> to vector<1024x1xf32>
      %swap3A_271 = arith.constant 0 : index
      %swap3A_272 = arith.constant 3 : index
      %swap3A_273 = vector.load %arg9[%swap3A_271, %swap3A_272] : memref<1024x8xf32, #tpu.memory_space<vmem>>, vector<1024x1xf32>
      tpu.vector_store %arg9[%swap3A_271, %swap3A_272], %broadcast_in_dim3A_248 {strides = array<i32>} : memref<1024x8xf32, #tpu.memory_space<vmem>>, vector<1024x1xf32>,
      %swap3A_274 = arith.constant 0 : index
      %swap3A_275 = arith.constant 3 : index
      %swap3A_276 = vector.load %arg10[%swap3A_274, %swap3A_275] : memref<1024x8xf32, #tpu.memory_space<vmem>>, vector<1024x1xf32>
      tpu.vector_store %arg10[%swap3A_274, %swap3A_275], %broadcast_in_dim3A_270 {strides = array<i32>} : memref<1024x8xf32, #tpu.memory_space<vmem>>, vector<1024x1xf32>,
      %jit3A_277 = arith.constant 0x7F800000 : f32
      %broadcast_in_dim3A_278 = vector.broadcast %jit3A_277 : f32 to vector<1024x2000xf32>
      %select_n3A_279 = arith.select %eq3A_264, %broadcast_in_dim3A_278, %get3A_245 : vector<1024x2000xi1>, vector<1024x2000xf32>
      %swap3A_280 = arith.constant 0 : index
      %swap3A_281 = arith.constant 0 : index
      %swap3A_282 = vector.load %arg8[%swap3A_280, %swap3A_281] : memref<1024x2000xf32, #tpu.memory_space<vmem>>, vector<1024x2000xf32>
      tpu.vector_store %arg8[%swap3A_280, %swap3A_281], %select_n3A_279 {strides = array<i32>} : memref<1024x2000xf32, #tpu.memory_space<vmem>>, vector<1024x2000xf32>,
    } else {
    }
    %get3A_70 = arith.constant 0 : index
    %get3A_71 = memref.load %arg11[%get3A_70] : memref<1xi32, #tpu.memory_space<smem>>
    %ne3A_72 = arith.constant 0 : i32
    %ne3A_73 = arith.cmpi ne, %get3A_71, %ne3A_72 : i32
    %convert_element_type3A_74 = arith.extui %ne3A_73 : i1 to i32
    %cond3A_75 = arith.constant 0 : i32
    %cond3A_76 = arith.cmpi ne, %convert_element_type3A_74, %cond3A_75 : i32
    scf.if %cond3A_76 {
      %get3A_243 = arith.constant 0 : index
      %get3A_244 = arith.constant 0 : index
      %get3A_245 = vector.load %arg8[%get3A_243, %get3A_244] : memref<1024x2000xf32, #tpu.memory_space<vmem>>, vector<1024x2000xf32>
      %reduce_min3A_246 = arith.constant dense<0x7F800000> : vector<1024xf32>
      %reduce_min3A_247 = vector.multi_reduction <minimumf>, %get3A_245, %reduce_min3A_246 [1] : vector<1024x2000xf32> to vector<1024xf32>
      %broadcast_in_dim3A_248 = vector.shape_cast %reduce_min3A_247 : vector<1024xf32> to vector<1024x1xf32>
      %le3A = arith.cmpf ole, %broadcast_in_dim3A_248, %get3A_30 : vector<1024x1xf32>
      %reduce_or3A = arith.constant 1.000000e+00 : f32
      %reduce_or3A_249 = arith.constant 0.000000e+00 : f32
      %reduce_or3A_250 = vector.broadcast %reduce_or3A : f32 to vector<1024x1xf32>
      %reduce_or3A_251 = vector.broadcast %reduce_or3A_249 : f32 to vector<1024x1xf32>
      %reduce_or3A_252 = arith.select %le3A, %reduce_or3A_250, %reduce_or3A_251 : vector<1024x1xi1>, vector<1024x1xf32>
      %reduce_or3A_253 = vector.shape_cast %reduce_or3A_252 : vector<1024x1xf32> to vector<1x1024x1xf32>
      %reduce_or3A_254 = arith.constant dense<0xFF800000> : vector<1xf32>
      %reduce_or3A_255 = vector.multi_reduction <maximumf>, %reduce_or3A_253, %reduce_or3A_254 [1, 2] : vector<1x1024x1xf32> to vector<1xf32>
      %reduce_or3A_256 = vector.shape_cast %reduce_or3A_255 : vector<1xf32> to vector<1x1x1xf32>
      %reduce_or3A_257 = vector.extract %reduce_or3A_256[0, 0, 0] : f32 from vector<1x1x1xf32>
      %reduce_or3A_258 = arith.constant 0.000000e+00 : f32
      %reduce_or3A_259 = arith.cmpf ogt, %reduce_or3A_257, %reduce_or3A_258 : f32
      %convert_element_type3A_260 = arith.extui %reduce_or3A_259 : i1 to i32
      %swap3A_261 = arith.constant 0 : index
      %swap3A_262 = memref.load %arg11[%swap3A_261] : memref<1xi32, #tpu.memory_space<smem>>
      memref.store %convert_element_type3A_260, %arg11[%swap3A_261] : memref<1xi32, #tpu.memory_space<smem>>
      %eq3A_263 = vector.broadcast %broadcast_in_dim3A_248 : vector<1024x1xf32> to vector<1024x2000xf32>
      %eq3A_264 = arith.cmpf oeq, %get3A_245, %eq3A_263 : vector<1024x2000xf32>
      %jit3A_265 = arith.constant 1.000000e+09 : f32
      %broadcast_in_dim3A_266 = vector.broadcast %jit3A_265 : f32 to vector<1024x2000xf32>
      %select_n3A_267 = arith.select %eq3A_264, %add3A_27, %broadcast_in_dim3A_266 : vector<1024x2000xi1>, vector<1024x2000xf32>
      %reduce_min3A_268 = arith.constant dense<0x7F800000> : vector<1024xf32>
      %reduce_min3A_269 = vector.multi_reduction <minimumf>, %select_n3A_267, %reduce_min3A_268 [1] : vector<1024x2000xf32> to vector<1024xf32>
      %broadcast_in_dim3A_270 = vector.shape_cast %reduce_min3A_269 : vector<1024xf32> to vector<1024x1xf32>
      %swap3A_271 = arith.constant 0 : index
      %swap3A_272 = arith.constant 4 : index
      %swap3A_273 = vector.load %arg9[%swap3A_271, %swap3A_272] : memref<1024x8xf32, #tpu.memory_space<vmem>>, vector<1024x1xf32>
      tpu.vector_store %arg9[%swap3A_271, %swap3A_272], %broadcast_in_dim3A_248 {strides = array<i32>} : memref<1024x8xf32, #tpu.memory_space<vmem>>, vector<1024x1xf32>,
      %swap3A_274 = arith.constant 0 : index
      %swap3A_275 = arith.constant 4 : index
      %swap3A_276 = vector.load %arg10[%swap3A_274, %swap3A_275] : memref<1024x8xf32, #tpu.memory_space<vmem>>, vector<1024x1xf32>
      tpu.vector_store %arg10[%swap3A_274, %swap3A_275], %broadcast_in_dim3A_270 {strides = array<i32>} : memref<1024x8xf32, #tpu.memory_space<vmem>>, vector<1024x1xf32>,
      %jit3A_277 = arith.constant 0x7F800000 : f32
      %broadcast_in_dim3A_278 = vector.broadcast %jit3A_277 : f32 to vector<1024x2000xf32>
      %select_n3A_279 = arith.select %eq3A_264, %broadcast_in_dim3A_278, %get3A_245 : vector<1024x2000xi1>, vector<1024x2000xf32>
      %swap3A_280 = arith.constant 0 : index
      %swap3A_281 = arith.constant 0 : index
      %swap3A_282 = vector.load %arg8[%swap3A_280, %swap3A_281] : memref<1024x2000xf32, #tpu.memory_space<vmem>>, vector<1024x2000xf32>
      tpu.vector_store %arg8[%swap3A_280, %swap3A_281], %select_n3A_279 {strides = array<i32>} : memref<1024x2000xf32, #tpu.memory_space<vmem>>, vector<1024x2000xf32>,
    } else {
    }
    %get3A_77 = arith.constant 0 : index
    %get3A_78 = memref.load %arg11[%get3A_77] : memref<1xi32, #tpu.memory_space<smem>>
    %ne3A_79 = arith.constant 0 : i32
    %ne3A_80 = arith.cmpi ne, %get3A_78, %ne3A_79 : i32
    %convert_element_type3A_81 = arith.extui %ne3A_80 : i1 to i32
    %cond3A_82 = arith.constant 0 : i32
    %cond3A_83 = arith.cmpi ne, %convert_element_type3A_81, %cond3A_82 : i32
    scf.if %cond3A_83 {
      %get3A_243 = arith.constant 0 : index
      %get3A_244 = arith.constant 0 : index
      %get3A_245 = vector.load %arg8[%get3A_243, %get3A_244] : memref<1024x2000xf32, #tpu.memory_space<vmem>>, vector<1024x2000xf32>
      %reduce_min3A_246 = arith.constant dense<0x7F800000> : vector<1024xf32>
      %reduce_min3A_247 = vector.multi_reduction <minimumf>, %get3A_245, %reduce_min3A_246 [1] : vector<1024x2000xf32> to vector<1024xf32>
      %broadcast_in_dim3A_248 = vector.shape_cast %reduce_min3A_247 : vector<1024xf32> to vector<1024x1xf32>
      %le3A = arith.cmpf ole, %broadcast_in_dim3A_248, %get3A_30 : vector<1024x1xf32>
      %reduce_or3A = arith.constant 1.000000e+00 : f32
      %reduce_or3A_249 = arith.constant 0.000000e+00 : f32
      %reduce_or3A_250 = vector.broadcast %reduce_or3A : f32 to vector<1024x1xf32>
      %reduce_or3A_251 = vector.broadcast %reduce_or3A_249 : f32 to vector<1024x1xf32>
      %reduce_or3A_252 = arith.select %le3A, %reduce_or3A_250, %reduce_or3A_251 : vector<1024x1xi1>, vector<1024x1xf32>
      %reduce_or3A_253 = vector.shape_cast %reduce_or3A_252 : vector<1024x1xf32> to vector<1x1024x1xf32>
      %reduce_or3A_254 = arith.constant dense<0xFF800000> : vector<1xf32>
      %reduce_or3A_255 = vector.multi_reduction <maximumf>, %reduce_or3A_253, %reduce_or3A_254 [1, 2] : vector<1x1024x1xf32> to vector<1xf32>
      %reduce_or3A_256 = vector.shape_cast %reduce_or3A_255 : vector<1xf32> to vector<1x1x1xf32>
      %reduce_or3A_257 = vector.extract %reduce_or3A_256[0, 0, 0] : f32 from vector<1x1x1xf32>
      %reduce_or3A_258 = arith.constant 0.000000e+00 : f32
      %reduce_or3A_259 = arith.cmpf ogt, %reduce_or3A_257, %reduce_or3A_258 : f32
      %convert_element_type3A_260 = arith.extui %reduce_or3A_259 : i1 to i32
      %swap3A_261 = arith.constant 0 : index
      %swap3A_262 = memref.load %arg11[%swap3A_261] : memref<1xi32, #tpu.memory_space<smem>>
      memref.store %convert_element_type3A_260, %arg11[%swap3A_261] : memref<1xi32, #tpu.memory_space<smem>>
      %eq3A_263 = vector.broadcast %broadcast_in_dim3A_248 : vector<1024x1xf32> to vector<1024x2000xf32>
      %eq3A_264 = arith.cmpf oeq, %get3A_245, %eq3A_263 : vector<1024x2000xf32>
      %jit3A_265 = arith.constant 1.000000e+09 : f32
      %broadcast_in_dim3A_266 = vector.broadcast %jit3A_265 : f32 to vector<1024x2000xf32>
      %select_n3A_267 = arith.select %eq3A_264, %add3A_27, %broadcast_in_dim3A_266 : vector<1024x2000xi1>, vector<1024x2000xf32>
      %reduce_min3A_268 = arith.constant dense<0x7F800000> : vector<1024xf32>
      %reduce_min3A_269 = vector.multi_reduction <minimumf>, %select_n3A_267, %reduce_min3A_268 [1] : vector<1024x2000xf32> to vector<1024xf32>
      %broadcast_in_dim3A_270 = vector.shape_cast %reduce_min3A_269 : vector<1024xf32> to vector<1024x1xf32>
      %swap3A_271 = arith.constant 0 : index
      %swap3A_272 = arith.constant 5 : index
      %swap3A_273 = vector.load %arg9[%swap3A_271, %swap3A_272] : memref<1024x8xf32, #tpu.memory_space<vmem>>, vector<1024x1xf32>
      tpu.vector_store %arg9[%swap3A_271, %swap3A_272], %broadcast_in_dim3A_248 {strides = array<i32>} : memref<1024x8xf32, #tpu.memory_space<vmem>>, vector<1024x1xf32>,
      %swap3A_274 = arith.constant 0 : index
      %swap3A_275 = arith.constant 5 : index
      %swap3A_276 = vector.load %arg10[%swap3A_274, %swap3A_275] : memref<1024x8xf32, #tpu.memory_space<vmem>>, vector<1024x1xf32>
      tpu.vector_store %arg10[%swap3A_274, %swap3A_275], %broadcast_in_dim3A_270 {strides = array<i32>} : memref<1024x8xf32, #tpu.memory_space<vmem>>, vector<1024x1xf32>,
      %jit3A_277 = arith.constant 0x7F800000 : f32
      %broadcast_in_dim3A_278 = vector.broadcast %jit3A_277 : f32 to vector<1024x2000xf32>
      %select_n3A_279 = arith.select %eq3A_264, %broadcast_in_dim3A_278, %get3A_245 : vector<1024x2000xi1>, vector<1024x2000xf32>
      %swap3A_280 = arith.constant 0 : index
      %swap3A_281 = arith.constant 0 : index
      %swap3A_282 = vector.load %arg8[%swap3A_280, %swap3A_281] : memref<1024x2000xf32, #tpu.memory_space<vmem>>, vector<1024x2000xf32>
      tpu.vector_store %arg8[%swap3A_280, %swap3A_281], %select_n3A_279 {strides = array<i32>} : memref<1024x2000xf32, #tpu.memory_space<vmem>>, vector<1024x2000xf32>,
    } else {
    }
    %get3A_84 = arith.constant 0 : index
    %get3A_85 = memref.load %arg11[%get3A_84] : memref<1xi32, #tpu.memory_space<smem>>
    %ne3A_86 = arith.constant 0 : i32
    %ne3A_87 = arith.cmpi ne, %get3A_85, %ne3A_86 : i32
    %convert_element_type3A_88 = arith.extui %ne3A_87 : i1 to i32
    %cond3A_89 = arith.constant 0 : i32
    %cond3A_90 = arith.cmpi ne, %convert_element_type3A_88, %cond3A_89 : i32
    scf.if %cond3A_90 {
      %get3A_243 = arith.constant 0 : index
      %get3A_244 = arith.constant 0 : index
      %get3A_245 = vector.load %arg8[%get3A_243, %get3A_244] : memref<1024x2000xf32, #tpu.memory_space<vmem>>, vector<1024x2000xf32>
      %reduce_min3A_246 = arith.constant dense<0x7F800000> : vector<1024xf32>
      %reduce_min3A_247 = vector.multi_reduction <minimumf>, %get3A_245, %reduce_min3A_246 [1] : vector<1024x2000xf32> to vector<1024xf32>
      %broadcast_in_dim3A_248 = vector.shape_cast %reduce_min3A_247 : vector<1024xf32> to vector<1024x1xf32>
      %le3A = arith.cmpf ole, %broadcast_in_dim3A_248, %get3A_30 : vector<1024x1xf32>
      %reduce_or3A = arith.constant 1.000000e+00 : f32
      %reduce_or3A_249 = arith.constant 0.000000e+00 : f32
      %reduce_or3A_250 = vector.broadcast %reduce_or3A : f32 to vector<1024x1xf32>
      %reduce_or3A_251 = vector.broadcast %reduce_or3A_249 : f32 to vector<1024x1xf32>
      %reduce_or3A_252 = arith.select %le3A, %reduce_or3A_250, %reduce_or3A_251 : vector<1024x1xi1>, vector<1024x1xf32>
      %reduce_or3A_253 = vector.shape_cast %reduce_or3A_252 : vector<1024x1xf32> to vector<1x1024x1xf32>
      %reduce_or3A_254 = arith.constant dense<0xFF800000> : vector<1xf32>
      %reduce_or3A_255 = vector.multi_reduction <maximumf>, %reduce_or3A_253, %reduce_or3A_254 [1, 2] : vector<1x1024x1xf32> to vector<1xf32>
      %reduce_or3A_256 = vector.shape_cast %reduce_or3A_255 : vector<1xf32> to vector<1x1x1xf32>
      %reduce_or3A_257 = vector.extract %reduce_or3A_256[0, 0, 0] : f32 from vector<1x1x1xf32>
      %reduce_or3A_258 = arith.constant 0.000000e+00 : f32
      %reduce_or3A_259 = arith.cmpf ogt, %reduce_or3A_257, %reduce_or3A_258 : f32
      %convert_element_type3A_260 = arith.extui %reduce_or3A_259 : i1 to i32
      %swap3A_261 = arith.constant 0 : index
      %swap3A_262 = memref.load %arg11[%swap3A_261] : memref<1xi32, #tpu.memory_space<smem>>
      memref.store %convert_element_type3A_260, %arg11[%swap3A_261] : memref<1xi32, #tpu.memory_space<smem>>
      %eq3A_263 = vector.broadcast %broadcast_in_dim3A_248 : vector<1024x1xf32> to vector<1024x2000xf32>
      %eq3A_264 = arith.cmpf oeq, %get3A_245, %eq3A_263 : vector<1024x2000xf32>
      %jit3A_265 = arith.constant 1.000000e+09 : f32
      %broadcast_in_dim3A_266 = vector.broadcast %jit3A_265 : f32 to vector<1024x2000xf32>
      %select_n3A_267 = arith.select %eq3A_264, %add3A_27, %broadcast_in_dim3A_266 : vector<1024x2000xi1>, vector<1024x2000xf32>
      %reduce_min3A_268 = arith.constant dense<0x7F800000> : vector<1024xf32>
      %reduce_min3A_269 = vector.multi_reduction <minimumf>, %select_n3A_267, %reduce_min3A_268 [1] : vector<1024x2000xf32> to vector<1024xf32>
      %broadcast_in_dim3A_270 = vector.shape_cast %reduce_min3A_269 : vector<1024xf32> to vector<1024x1xf32>
      %swap3A_271 = arith.constant 0 : index
      %swap3A_272 = arith.constant 6 : index
      %swap3A_273 = vector.load %arg9[%swap3A_271, %swap3A_272] : memref<1024x8xf32, #tpu.memory_space<vmem>>, vector<1024x1xf32>
      tpu.vector_store %arg9[%swap3A_271, %swap3A_272], %broadcast_in_dim3A_248 {strides = array<i32>} : memref<1024x8xf32, #tpu.memory_space<vmem>>, vector<1024x1xf32>,
      %swap3A_274 = arith.constant 0 : index
      %swap3A_275 = arith.constant 6 : index
      %swap3A_276 = vector.load %arg10[%swap3A_274, %swap3A_275] : memref<1024x8xf32, #tpu.memory_space<vmem>>, vector<1024x1xf32>
      tpu.vector_store %arg10[%swap3A_274, %swap3A_275], %broadcast_in_dim3A_270 {strides = array<i32>} : memref<1024x8xf32, #tpu.memory_space<vmem>>, vector<1024x1xf32>,
      %jit3A_277 = arith.constant 0x7F800000 : f32
      %broadcast_in_dim3A_278 = vector.broadcast %jit3A_277 : f32 to vector<1024x2000xf32>
      %select_n3A_279 = arith.select %eq3A_264, %broadcast_in_dim3A_278, %get3A_245 : vector<1024x2000xi1>, vector<1024x2000xf32>
      %swap3A_280 = arith.constant 0 : index
      %swap3A_281 = arith.constant 0 : index
      %swap3A_282 = vector.load %arg8[%swap3A_280, %swap3A_281] : memref<1024x2000xf32, #tpu.memory_space<vmem>>, vector<1024x2000xf32>
      tpu.vector_store %arg8[%swap3A_280, %swap3A_281], %select_n3A_279 {strides = array<i32>} : memref<1024x2000xf32, #tpu.memory_space<vmem>>, vector<1024x2000xf32>,
    } else {
    }
    %get3A_91 = arith.constant 0 : index
    %get3A_92 = arith.constant 0 : index
    %get3A_93 = vector.load %arg6[%get3A_91, %get3A_92] : memref<1024x128xf32, #tpu.memory_space<vmem>>, vector<1024x8xf32>
    %get3A_94 = arith.constant 0 : index
    %get3A_95 = arith.constant 0 : index
    %get3A_96 = vector.load %arg9[%get3A_94, %get3A_95] : memref<1024x8xf32, #tpu.memory_space<vmem>>, vector<1024x8xf32>
    %concatenate3A = tpu.concatenate %get3A_93, %get3A_96 in 1 : vector<1024x8xf32>, vector<1024x8xf32> -> vector<1024x16xf32>
    %get3A_97 = arith.constant 0 : index
    %get3A_98 = arith.constant 0 : index
    %get3A_99 = vector.load %arg7[%get3A_97, %get3A_98] : memref<1024x128xf32, #tpu.memory_space<vmem>>, vector<1024x8xf32>
    %get3A_100 = arith.constant 0 : index
    %get3A_101 = arith.constant 0 : index
    %get3A_102 = vector.load %arg10[%get3A_100, %get3A_101] : memref<1024x8xf32, #tpu.memory_space<vmem>>, vector<1024x8xf32>
    %concatenate3A_103 = tpu.concatenate %get3A_99, %get3A_102 in 1 : vector<1024x8xf32>, vector<1024x8xf32> -> vector<1024x16xf32>
    %reduce_min3A = arith.constant dense<0x7F800000> : vector<1024xf32>
    %reduce_min3A_104 = vector.multi_reduction <minimumf>, %concatenate3A, %reduce_min3A [1] : vector<1024x16xf32> to vector<1024xf32>
    %broadcast_in_dim3A_105 = vector.shape_cast %reduce_min3A_104 : vector<1024xf32> to vector<1024x1xf32>
    %eq3A_106 = vector.broadcast %broadcast_in_dim3A_105 : vector<1024x1xf32> to vector<1024x16xf32>
    %eq3A_107 = arith.cmpf oeq, %concatenate3A, %eq3A_106 : vector<1024x16xf32>
    %jit3A = arith.constant 1.000000e+09 : f32
    %broadcast_in_dim3A_108 = vector.broadcast %jit3A : f32 to vector<1024x16xf32>
    %select_n3A = arith.select %eq3A_107, %concatenate3A_103, %broadcast_in_dim3A_108 : vector<1024x16xi1>, vector<1024x16xf32>
    %reduce_min3A_109 = arith.constant dense<0x7F800000> : vector<1024xf32>
    %reduce_min3A_110 = vector.multi_reduction <minimumf>, %select_n3A, %reduce_min3A_109 [1] : vector<1024x16xf32> to vector<1024xf32>
    %broadcast_in_dim3A_111 = vector.shape_cast %reduce_min3A_110 : vector<1024xf32> to vector<1024x1xf32>
    %swap3A_112 = arith.constant 0 : index
    %swap3A_113 = arith.constant 0 : index
    %swap3A_114 = vector.load %arg6[%swap3A_112, %swap3A_113] : memref<1024x128xf32, #tpu.memory_space<vmem>>, vector<1024x1xf32>
    tpu.vector_store %arg6[%swap3A_112, %swap3A_113], %broadcast_in_dim3A_105 {strides = array<i32>} : memref<1024x128xf32, #tpu.memory_space<vmem>>, vector<1024x1xf32>,
    %swap3A_115 = arith.constant 0 : index
    %swap3A_116 = arith.constant 0 : index
    %swap3A_117 = vector.load %arg7[%swap3A_115, %swap3A_116] : memref<1024x128xf32, #tpu.memory_space<vmem>>, vector<1024x1xf32>
    tpu.vector_store %arg7[%swap3A_115, %swap3A_116], %broadcast_in_dim3A_111 {strides = array<i32>} : memref<1024x128xf32, #tpu.memory_space<vmem>>, vector<1024x1xf32>,
    %jit3A_118 = arith.constant 0x7F800000 : f32
    %broadcast_in_dim3A_119 = vector.broadcast %jit3A_118 : f32 to vector<1024x16xf32>
    %select_n3A_120 = arith.select %eq3A_107, %broadcast_in_dim3A_119, %concatenate3A : vector<1024x16xi1>, vector<1024x16xf32>
    %reduce_min3A_121 = arith.constant dense<0x7F800000> : vector<1024xf32>
    %reduce_min3A_122 = vector.multi_reduction <minimumf>, %select_n3A_120, %reduce_min3A_121 [1] : vector<1024x16xf32> to vector<1024xf32>
    %broadcast_in_dim3A_123 = vector.shape_cast %reduce_min3A_122 : vector<1024xf32> to vector<1024x1xf32>
    %eq3A_124 = vector.broadcast %broadcast_in_dim3A_123 : vector<1024x1xf32> to vector<1024x16xf32>
    %eq3A_125 = arith.cmpf oeq, %select_n3A_120, %eq3A_124 : vector<1024x16xf32>
    %jit3A_126 = arith.constant 1.000000e+09 : f32
    %broadcast_in_dim3A_127 = vector.broadcast %jit3A_126 : f32 to vector<1024x16xf32>
    %select_n3A_128 = arith.select %eq3A_125, %concatenate3A_103, %broadcast_in_dim3A_127 : vector<1024x16xi1>, vector<1024x16xf32>
    %reduce_min3A_129 = arith.constant dense<0x7F800000> : vector<1024xf32>
    %reduce_min3A_130 = vector.multi_reduction <minimumf>, %select_n3A_128, %reduce_min3A_129 [1] : vector<1024x16xf32> to vector<1024xf32>
    %broadcast_in_dim3A_131 = vector.shape_cast %reduce_min3A_130 : vector<1024xf32> to vector<1024x1xf32>
    %swap3A_132 = arith.constant 0 : index
    %swap3A_133 = arith.constant 1 : index
    %swap3A_134 = vector.load %arg6[%swap3A_132, %swap3A_133] : memref<1024x128xf32, #tpu.memory_space<vmem>>, vector<1024x1xf32>
    tpu.vector_store %arg6[%swap3A_132, %swap3A_133], %broadcast_in_dim3A_123 {strides = array<i32>} : memref<1024x128xf32, #tpu.memory_space<vmem>>, vector<1024x1xf32>,
    %swap3A_135 = arith.constant 0 : index
    %swap3A_136 = arith.constant 1 : index
    %swap3A_137 = vector.load %arg7[%swap3A_135, %swap3A_136] : memref<1024x128xf32, #tpu.memory_space<vmem>>, vector<1024x1xf32>
    tpu.vector_store %arg7[%swap3A_135, %swap3A_136], %broadcast_in_dim3A_131 {strides = array<i32>} : memref<1024x128xf32, #tpu.memory_space<vmem>>, vector<1024x1xf32>,
    %jit3A_138 = arith.constant 0x7F800000 : f32
    %broadcast_in_dim3A_139 = vector.broadcast %jit3A_138 : f32 to vector<1024x16xf32>
    %select_n3A_140 = arith.select %eq3A_125, %broadcast_in_dim3A_139, %select_n3A_120 : vector<1024x16xi1>, vector<1024x16xf32>
    %reduce_min3A_141 = arith.constant dense<0x7F800000> : vector<1024xf32>
    %reduce_min3A_142 = vector.multi_reduction <minimumf>, %select_n3A_140, %reduce_min3A_141 [1] : vector<1024x16xf32> to vector<1024xf32>
    %broadcast_in_dim3A_143 = vector.shape_cast %reduce_min3A_142 : vector<1024xf32> to vector<1024x1xf32>
    %eq3A_144 = vector.broadcast %broadcast_in_dim3A_143 : vector<1024x1xf32> to vector<1024x16xf32>
    %eq3A_145 = arith.cmpf oeq, %select_n3A_140, %eq3A_144 : vector<1024x16xf32>
    %jit3A_146 = arith.constant 1.000000e+09 : f32
    %broadcast_in_dim3A_147 = vector.broadcast %jit3A_146 : f32 to vector<1024x16xf32>
    %select_n3A_148 = arith.select %eq3A_145, %concatenate3A_103, %broadcast_in_dim3A_147 : vector<1024x16xi1>, vector<1024x16xf32>
    %reduce_min3A_149 = arith.constant dense<0x7F800000> : vector<1024xf32>
    %reduce_min3A_150 = vector.multi_reduction <minimumf>, %select_n3A_148, %reduce_min3A_149 [1] : vector<1024x16xf32> to vector<1024xf32>
    %broadcast_in_dim3A_151 = vector.shape_cast %reduce_min3A_150 : vector<1024xf32> to vector<1024x1xf32>
    %swap3A_152 = arith.constant 0 : index
    %swap3A_153 = arith.constant 2 : index
    %swap3A_154 = vector.load %arg6[%swap3A_152, %swap3A_153] : memref<1024x128xf32, #tpu.memory_space<vmem>>, vector<1024x1xf32>
    tpu.vector_store %arg6[%swap3A_152, %swap3A_153], %broadcast_in_dim3A_143 {strides = array<i32>} : memref<1024x128xf32, #tpu.memory_space<vmem>>, vector<1024x1xf32>,
    %swap3A_155 = arith.constant 0 : index
    %swap3A_156 = arith.constant 2 : index
    %swap3A_157 = vector.load %arg7[%swap3A_155, %swap3A_156] : memref<1024x128xf32, #tpu.memory_space<vmem>>, vector<1024x1xf32>
    tpu.vector_store %arg7[%swap3A_155, %swap3A_156], %broadcast_in_dim3A_151 {strides = array<i32>} : memref<1024x128xf32, #tpu.memory_space<vmem>>, vector<1024x1xf32>,
    %jit3A_158 = arith.constant 0x7F800000 : f32
    %broadcast_in_dim3A_159 = vector.broadcast %jit3A_158 : f32 to vector<1024x16xf32>
    %select_n3A_160 = arith.select %eq3A_145, %broadcast_in_dim3A_159, %select_n3A_140 : vector<1024x16xi1>, vector<1024x16xf32>
    %reduce_min3A_161 = arith.constant dense<0x7F800000> : vector<1024xf32>
    %reduce_min3A_162 = vector.multi_reduction <minimumf>, %select_n3A_160, %reduce_min3A_161 [1] : vector<1024x16xf32> to vector<1024xf32>
    %broadcast_in_dim3A_163 = vector.shape_cast %reduce_min3A_162 : vector<1024xf32> to vector<1024x1xf32>
    %eq3A_164 = vector.broadcast %broadcast_in_dim3A_163 : vector<1024x1xf32> to vector<1024x16xf32>
    %eq3A_165 = arith.cmpf oeq, %select_n3A_160, %eq3A_164 : vector<1024x16xf32>
    %jit3A_166 = arith.constant 1.000000e+09 : f32
    %broadcast_in_dim3A_167 = vector.broadcast %jit3A_166 : f32 to vector<1024x16xf32>
    %select_n3A_168 = arith.select %eq3A_165, %concatenate3A_103, %broadcast_in_dim3A_167 : vector<1024x16xi1>, vector<1024x16xf32>
    %reduce_min3A_169 = arith.constant dense<0x7F800000> : vector<1024xf32>
    %reduce_min3A_170 = vector.multi_reduction <minimumf>, %select_n3A_168, %reduce_min3A_169 [1] : vector<1024x16xf32> to vector<1024xf32>
    %broadcast_in_dim3A_171 = vector.shape_cast %reduce_min3A_170 : vector<1024xf32> to vector<1024x1xf32>
    %swap3A_172 = arith.constant 0 : index
    %swap3A_173 = arith.constant 3 : index
    %swap3A_174 = vector.load %arg6[%swap3A_172, %swap3A_173] : memref<1024x128xf32, #tpu.memory_space<vmem>>, vector<1024x1xf32>
    tpu.vector_store %arg6[%swap3A_172, %swap3A_173], %broadcast_in_dim3A_163 {strides = array<i32>} : memref<1024x128xf32, #tpu.memory_space<vmem>>, vector<1024x1xf32>,
    %swap3A_175 = arith.constant 0 : index
    %swap3A_176 = arith.constant 3 : index
    %swap3A_177 = vector.load %arg7[%swap3A_175, %swap3A_176] : memref<1024x128xf32, #tpu.memory_space<vmem>>, vector<1024x1xf32>
    tpu.vector_store %arg7[%swap3A_175, %swap3A_176], %broadcast_in_dim3A_171 {strides = array<i32>} : memref<1024x128xf32, #tpu.memory_space<vmem>>, vector<1024x1xf32>,
    %jit3A_178 = arith.constant 0x7F800000 : f32
    %broadcast_in_dim3A_179 = vector.broadcast %jit3A_178 : f32 to vector<1024x16xf32>
    %select_n3A_180 = arith.select %eq3A_165, %broadcast_in_dim3A_179, %select_n3A_160 : vector<1024x16xi1>, vector<1024x16xf32>
    %reduce_min3A_181 = arith.constant dense<0x7F800000> : vector<1024xf32>
    %reduce_min3A_182 = vector.multi_reduction <minimumf>, %select_n3A_180, %reduce_min3A_181 [1] : vector<1024x16xf32> to vector<1024xf32>
    %broadcast_in_dim3A_183 = vector.shape_cast %reduce_min3A_182 : vector<1024xf32> to vector<1024x1xf32>
    %eq3A_184 = vector.broadcast %broadcast_in_dim3A_183 : vector<1024x1xf32> to vector<1024x16xf32>
    %eq3A_185 = arith.cmpf oeq, %select_n3A_180, %eq3A_184 : vector<1024x16xf32>
    %jit3A_186 = arith.constant 1.000000e+09 : f32
    %broadcast_in_dim3A_187 = vector.broadcast %jit3A_186 : f32 to vector<1024x16xf32>
    %select_n3A_188 = arith.select %eq3A_185, %concatenate3A_103, %broadcast_in_dim3A_187 : vector<1024x16xi1>, vector<1024x16xf32>
    %reduce_min3A_189 = arith.constant dense<0x7F800000> : vector<1024xf32>
    %reduce_min3A_190 = vector.multi_reduction <minimumf>, %select_n3A_188, %reduce_min3A_189 [1] : vector<1024x16xf32> to vector<1024xf32>
    %broadcast_in_dim3A_191 = vector.shape_cast %reduce_min3A_190 : vector<1024xf32> to vector<1024x1xf32>
    %swap3A_192 = arith.constant 0 : index
    %swap3A_193 = arith.constant 4 : index
    %swap3A_194 = vector.load %arg6[%swap3A_192, %swap3A_193] : memref<1024x128xf32, #tpu.memory_space<vmem>>, vector<1024x1xf32>
    tpu.vector_store %arg6[%swap3A_192, %swap3A_193], %broadcast_in_dim3A_183 {strides = array<i32>} : memref<1024x128xf32, #tpu.memory_space<vmem>>, vector<1024x1xf32>,
    %swap3A_195 = arith.constant 0 : index
    %swap3A_196 = arith.constant 4 : index
    %swap3A_197 = vector.load %arg7[%swap3A_195, %swap3A_196] : memref<1024x128xf32, #tpu.memory_space<vmem>>, vector<1024x1xf32>
    tpu.vector_store %arg7[%swap3A_195, %swap3A_196], %broadcast_in_dim3A_191 {strides = array<i32>} : memref<1024x128xf32, #tpu.memory_space<vmem>>, vector<1024x1xf32>,
    %jit3A_198 = arith.constant 0x7F800000 : f32
    %broadcast_in_dim3A_199 = vector.broadcast %jit3A_198 : f32 to vector<1024x16xf32>
    %select_n3A_200 = arith.select %eq3A_185, %broadcast_in_dim3A_199, %select_n3A_180 : vector<1024x16xi1>, vector<1024x16xf32>
    %reduce_min3A_201 = arith.constant dense<0x7F800000> : vector<1024xf32>
    %reduce_min3A_202 = vector.multi_reduction <minimumf>, %select_n3A_200, %reduce_min3A_201 [1] : vector<1024x16xf32> to vector<1024xf32>
    %broadcast_in_dim3A_203 = vector.shape_cast %reduce_min3A_202 : vector<1024xf32> to vector<1024x1xf32>
    %eq3A_204 = vector.broadcast %broadcast_in_dim3A_203 : vector<1024x1xf32> to vector<1024x16xf32>
    %eq3A_205 = arith.cmpf oeq, %select_n3A_200, %eq3A_204 : vector<1024x16xf32>
    %jit3A_206 = arith.constant 1.000000e+09 : f32
    %broadcast_in_dim3A_207 = vector.broadcast %jit3A_206 : f32 to vector<1024x16xf32>
    %select_n3A_208 = arith.select %eq3A_205, %concatenate3A_103, %broadcast_in_dim3A_207 : vector<1024x16xi1>, vector<1024x16xf32>
    %reduce_min3A_209 = arith.constant dense<0x7F800000> : vector<1024xf32>
    %reduce_min3A_210 = vector.multi_reduction <minimumf>, %select_n3A_208, %reduce_min3A_209 [1] : vector<1024x16xf32> to vector<1024xf32>
    %broadcast_in_dim3A_211 = vector.shape_cast %reduce_min3A_210 : vector<1024xf32> to vector<1024x1xf32>
    %swap3A_212 = arith.constant 0 : index
    %swap3A_213 = arith.constant 5 : index
    %swap3A_214 = vector.load %arg6[%swap3A_212, %swap3A_213] : memref<1024x128xf32, #tpu.memory_space<vmem>>, vector<1024x1xf32>
    tpu.vector_store %arg6[%swap3A_212, %swap3A_213], %broadcast_in_dim3A_203 {strides = array<i32>} : memref<1024x128xf32, #tpu.memory_space<vmem>>, vector<1024x1xf32>,
    %swap3A_215 = arith.constant 0 : index
    %swap3A_216 = arith.constant 5 : index
    %swap3A_217 = vector.load %arg7[%swap3A_215, %swap3A_216] : memref<1024x128xf32, #tpu.memory_space<vmem>>, vector<1024x1xf32>
    tpu.vector_store %arg7[%swap3A_215, %swap3A_216], %broadcast_in_dim3A_211 {strides = array<i32>} : memref<1024x128xf32, #tpu.memory_space<vmem>>, vector<1024x1xf32>,
    %jit3A_218 = arith.constant 0x7F800000 : f32
    %broadcast_in_dim3A_219 = vector.broadcast %jit3A_218 : f32 to vector<1024x16xf32>
    %select_n3A_220 = arith.select %eq3A_205, %broadcast_in_dim3A_219, %select_n3A_200 : vector<1024x16xi1>, vector<1024x16xf32>
    %reduce_min3A_221 = arith.constant dense<0x7F800000> : vector<1024xf32>
    %reduce_min3A_222 = vector.multi_reduction <minimumf>, %select_n3A_220, %reduce_min3A_221 [1] : vector<1024x16xf32> to vector<1024xf32>
    %broadcast_in_dim3A_223 = vector.shape_cast %reduce_min3A_222 : vector<1024xf32> to vector<1024x1xf32>
    %eq3A_224 = vector.broadcast %broadcast_in_dim3A_223 : vector<1024x1xf32> to vector<1024x16xf32>
    %eq3A_225 = arith.cmpf oeq, %select_n3A_220, %eq3A_224 : vector<1024x16xf32>
    %jit3A_226 = arith.constant 1.000000e+09 : f32
    %broadcast_in_dim3A_227 = vector.broadcast %jit3A_226 : f32 to vector<1024x16xf32>
    %select_n3A_228 = arith.select %eq3A_225, %concatenate3A_103, %broadcast_in_dim3A_227 : vector<1024x16xi1>, vector<1024x16xf32>
    %reduce_min3A_229 = arith.constant dense<0x7F800000> : vector<1024xf32>
    %reduce_min3A_230 = vector.multi_reduction <minimumf>, %select_n3A_228, %reduce_min3A_229 [1] : vector<1024x16xf32> to vector<1024xf32>
    %broadcast_in_dim3A_231 = vector.shape_cast %reduce_min3A_230 : vector<1024xf32> to vector<1024x1xf32>
    %swap3A_232 = arith.constant 0 : index
    %swap3A_233 = arith.constant 6 : index
    %swap3A_234 = vector.load %arg6[%swap3A_232, %swap3A_233] : memref<1024x128xf32, #tpu.memory_space<vmem>>, vector<1024x1xf32>
    tpu.vector_store %arg6[%swap3A_232, %swap3A_233], %broadcast_in_dim3A_223 {strides = array<i32>} : memref<1024x128xf32, #tpu.memory_space<vmem>>, vector<1024x1xf32>,
    %swap3A_235 = arith.constant 0 : index
    %swap3A_236 = arith.constant 6 : index
    %swap3A_237 = vector.load %arg7[%swap3A_235, %swap3A_236] : memref<1024x128xf32, #tpu.memory_space<vmem>>, vector<1024x1xf32>
    tpu.vector_store %arg7[%swap3A_235, %swap3A_236], %broadcast_in_dim3A_231 {strides = array<i32>} : memref<1024x128xf32, #tpu.memory_space<vmem>>, vector<1024x1xf32>,
    %eq3A_238 = arith.constant 49 : i32
    %eq3A_239 = arith.cmpi eq, %arg0, %eq3A_238 : i32
    %convert_element_type3A_240 = arith.extui %eq3A_239 : i1 to i32
    %cond3A_241 = arith.constant 0 : i32
    %cond3A_242 = arith.cmpi ne, %convert_element_type3A_240, %cond3A_241 : i32
    scf.if %cond3A_242 {
      %get3A_243 = arith.constant 0 : index
      %get3A_244 = arith.constant 0 : index
      %get3A_245 = vector.load %arg7[%get3A_243, %get3A_244] : memref<1024x128xf32, #tpu.memory_space<vmem>>, vector<1024x128xf32>
      %convert_element_type3A_246 = arith.fptosi %get3A_245 : vector<1024x128xf32> to vector<1024x128xi32>
      %swap3A_247 = arith.constant 0 : index
      %swap3A_248 = arith.constant 0 : index
      %swap3A_249 = vector.load %arg5[%swap3A_247, %swap3A_248] : memref<1024x128xi32, #tpu.memory_space<vmem>>, vector<1024x128xi32>
      tpu.vector_store %arg5[%swap3A_247, %swap3A_248], %convert_element_type3A_246 {strides = array<i32>} : memref<1024x128xi32, #tpu.memory_space<vmem>>, vector<1024x128xi32>,
    } else {
    }
    return
  }
  func.func @transform_0(%arg0: i32) -> (i32, i32) {
    %c0_i32 = arith.constant 0 : i32
    %c0_i32_0 = arith.constant 0 : i32
    %c0_i32_1 = arith.constant 0 : i32
    return %c0_i32, %c0_i32_0 : i32, i32
  }
  func.func @transform_1(%arg0: i32) -> (i32, i32) {
    %c0_i32 = arith.constant 0 : i32
    %c0_i32_0 = arith.constant 0 : i32
    return %arg0, %c0_i32 : i32, i32
  }
  func.func @transform_2(%arg0: i32) -> (i32, i32) {
    %c0_i32 = arith.constant 0 : i32
    %c0_i32_0 = arith.constant 0 : i32
    %c0_i32_1 = arith.constant 0 : i32
    return %c0_i32, %c0_i32_0 : i32, i32
  }
  func.func @transform_3(%arg0: i32) -> (i32, i32, i32) {
    %c0_i32 = arith.constant 0 : i32
    %c0_i32_0 = arith.constant 0 : i32
    %c0_i32_1 = arith.constant 0 : i32
    return %arg0, %c0_i32, %c0_i32_0 : i32, i32, i32
  }
  func.func @transform_4(%arg0: i32) -> (i32, i32) {
    %c0_i32 = arith.constant 0 : i32
    %c0_i32_0 = arith.constant 0 : i32
    %c0_i32_1 = arith.constant 0 : i32
    return %c0_i32, %c0_i32_0 : i32, i32
  }
}

</mosaic_0001>

<sc_bundles>
// kernel: kernel.4.cloned.1.call-start
scs
__scs_entry_jumppad:
0x0: {  	(pc) =	sbr.rel $0x88, $3  }
0x1: {  	(tag) =	ssettag $0x0;
	lr =	simm.s32 $0x1  }
0x2: {  	[smem:$0x3F9E] =	sst lr;
	_ =	strace $0xD0000000  }
0x3: {  	_ = 	snop  }
0x4: {  	_ = 	snop  }
0x5: {  	_ = 	snop  }
0x6: {  	_ = 	snop  }
0x7: {  	_ = 	snop  }
__scs_overlays_trampoline_lowered:
0x8: {  	[smem:$0x3FAD] =	sst s0  }
0x9: {  	[smem:$0x3FAE] =	sst s1  }
0xa: {  	[smem:$0x3FAF] =	sst s2  }
0xb: {  	[smem:$0x3FB0] =	sst s3  }
0xc: {  	[smem:$0x3FB1] =	sst s4  }
0xd: {  	[smem:$0x3FB2] =	sst s5  }
0xe: {  	[smem:$0x3FB3] =	sst s6  }
0xf: {  	[smem:$0x3FB4] =	sst s7  }
0x10: {  	[smem:$0x3FB5] =	sst s8  }
0x11: {  	[smem:$0x3FB6] =	sst s9;
	s0 =	simm.s32 @!p0 $0x0  }
0x12: {  	s1 =	sld [smem:$0x3F9C];
	s0 =	simm.s32 @p0 $0x1  }
0x13: {  	[smem:$0x3FB7] =	sst s0;
	s0 =	simm.s32 @!p1 $0x0  }
0x14: {  	s2 =	sld [smem:$0x3F9B];
	s0 =	simm.s32 @p1 $0x1  }
0x15: {  	[smem:$0x3FB8] =	sst s0;
	s0 =	simm.s32 @!p2 $0x0  }
0x16: {  	s3 =	sld [smem:$0x3FDB];
	s0 =	simm.s32 @p2 $0x1  }
0x17: {  	s4 =	simm.s32 $0x1BF5;
	[smem:$0x3FBA] =	sst s0  }
0x18: {  	s0 =	sld [smem:$0x3F9D];
	_ =	swait.ge [sflag:s4], $0x0  }
0x19: {  	s7 =	sld [smem:$0x3F9E]  }
0x1a: {  	s8 =	sadd.s32 $0xFFFFE003, lr  }
0x1b: {  	s9 =	sadd.s32 $0xFFFFFEF7, lr;
	s5 =	simm.s32 $0xFFFFFFFF;
	p2 =	slt.u32 s8, $0xFFFFF086  }
0x1c: {  	p1 =	slt.u32 s9, $0xF7A;
	s5 =	simm.s32 @!p2 $0x0  }
0x1d: {  	s5 =	simm.s32 @p1 $0x1;
	p0 =	seq.s32 s7, s2  }
0x1e: {  	s7 =	smul.u32 @!p0 $0xF7A, s2;
	p2 =	seq.s32 @!p0 s5, $0x0  }
0x1f: {  	s9 =	smul.u32 $0xF7A, s1;
	s8 =	simm.s32 @!p0 $0x1BF5;
	p2 =	por !p2, p0  }
0x20: {  	[sflag:s8] =	ssyncset.s32 @!p0 $0xFFFFF086;
	s6 =	sadd.s32 @!p0 s3, s7;
	s7 =	simm.s32 @!p0 $0x108  }
0x21: {  	s3 =	sadd.s32 s3, s9;
	s6 =	sadd.s32 @!p0 $0x88, s6;
	s7 =	simm.s32 @p2 $0x1082  }
0x22: {  	[simem:s7], [sflag:s8] =	dma.local @!p0 [hbm:s6], $0xF7A  }
0x23: {  	s9 =	sor.u32 $0xD0000000, s2;
	s6 =	simm.s32 $0x108;
	_ =	swait.ge @!p0 [sflag:s8], $0x0  }
0x24: {  	s3 =	sadd.s32 $0x88, s3;
	s6 =	simm.s32 @!p1 $0x1082;
	[sflag:s4] =	ssyncset.s32 $0xFFFFF086  }
0x25: {  	[simem:s6], [sflag:s4] =	dma.local [hbm:s3], $0xF7A  }
0x26: {  	[smem:$0x3F9E] =	sst s1;
	(tag) =	ssettag s2;
	_ =	strace s9  }
0x27: {  	s1 =	sld [smem:$0x3FAE]  }
0x28: {  	s2 =	sld [smem:$0x3FAF]  }
0x29: {  	s4 =	sld [smem:$0x3FB1]  }
0x2a: {  	p0 =	seq.s32 s5, $0x0;
	s5 =	sld [smem:$0x3FB2]  }
0x2b: {  	s6 =	sld [smem:$0x3FB3]  }
0x2c: {  	s7 =	sld [smem:$0x3FB4]  }
0x2d: {  	s3 =	simm.s32 $0x108;
	s8 =	sld [smem:$0x3FB5]  }
0x2e: {  	s3 =	simm.s32 @!p0 $0x1082;
	s9 =	sld [smem:$0x3FB6]  }
0x2f: {  	lr =	sadd.s32 s0, s3;
	s0 =	sld [smem:$0x3FAD]  }
0x30: {  	s3 =	sld [smem:$0x3FB0]  }
0x31: {  	[smem:$0x3FB9] =	sst s10  }
0x32: {  	s10 =	sld [smem:$0x3FB7];
	_ =	sdelay $0x3  }
0x33: {  	p0 =	seq.s32 s10, $0x1;
	s10 =	sld [smem:$0x3FB9];
	_ =	sdelay $0x3  }
0x34: {  	[smem:$0x3FB9] =	sst s10  }
0x35: {  	s10 =	sld [smem:$0x3FB8];
	_ =	sdelay $0x3  }
0x36: {  	p1 =	seq.s32 s10, $0x1;
	s10 =	sld [smem:$0x3FB9];
	_ =	sdelay $0x3  }
0x37: {  	[smem:$0x3FB9] =	sst s10  }
0x38: {  	s10 =	sld [smem:$0x3FBA]  }
0x39: {  	_ = 	snop;
	(pc) =	sbr.ind lr, $3  }
0x3a: {  	_ = 	snop  }
0x3b: {  	_ = 	snop  }
0x3c: {  	p2 =	seq.s32 s10, $0x1;
	s10 =	sld [smem:$0x3FB9]  }
0x3d: {  	_ =	shalt  }
0x3e: {  	_ =	shalt  }
0x3f: {  	_ =	shalt  }
0x40: {  	_ =	shalt  }
0x41: {  	_ =	shalt  }
0x42: {  	_ =	shalt  }
0x43: {  	_ =	shalt  }
0x44: {  	_ =	shalt  }
0x45: {  	_ =	shalt  }
0x46: {  	_ =	shalt  }
0x47: {  	_ =	shalt  }
0x48: {  	_ =	shalt  }
0x49: {  	_ =	shalt  }
0x4a: {  	_ =	shalt  }
0x4b: {  	_ =	shalt  }
0x4c: {  	_ =	shalt  }
0x4d: {  	_ =	shalt  }
0x4e: {  	_ =	shalt  }
0x4f: {  	_ =	shalt  }
0x50: {  	_ =	shalt  }
0x51: {  	_ =	shalt  }
0x52: {  	_ =	shalt  }
0x53: {  	_ =	shalt  }
0x54: {  	_ =	shalt  }
0x55: {  	_ =	shalt  }
0x56: {  	_ =	shalt  }
0x57: {  	_ =	shalt  }
0x58: {  	_ =	shalt  }
0x59: {  	_ =	shalt  }
0x5a: {  	_ =	shalt  }
0x5b: {  	_ =	shalt  }
0x5c: {  	_ =	shalt  }
0x5d: {  	_ =	shalt  }
0x5e: {  	_ =	shalt  }
0x5f: {  	_ =	shalt  }
0x60: {  	_ =	shalt  }
0x61: {  	_ =	shalt  }
0x62: {  	_ =	shalt  }
0x63: {  	_ =	shalt  }
0x64: {  	_ =	shalt  }
0x65: {  	_ =	shalt  }
0x66: {  	_ =	shalt  }
0x67: {  	_ =	shalt  }
0x68: {  	_ =	shalt  }
0x69: {  	_ =	shalt  }
0x6a: {  	_ =	shalt  }
0x6b: {  	_ =	shalt  }
0x6c: {  	_ =	shalt  }
0x6d: {  	_ =	shalt  }
0x6e: {  	_ =	shalt  }
0x6f: {  	_ =	shalt  }
0x70: {  	_ =	shalt  }
0x71: {  	_ =	shalt  }
0x72: {  	_ =	shalt  }
0x73: {  	_ =	shalt  }
0x74: {  	_ =	shalt  }
0x75: {  	_ =	shalt  }
0x76: {  	_ =	shalt  }
0x77: {  	_ =	shalt  }
0x78: {  	_ =	shalt  }
0x79: {  	_ =	shalt  }
0x7a: {  	_ =	shalt  }
0x7b: {  	_ =	shalt  }
0x7c: {  	_ =	shalt  }
0x7d: {  	_ =	shalt  }
0x7e: {  	_ =	shalt  }
0x7f: {  	_ =	shalt  }
0x80: {  	_ =	shalt  }
0x81: {  	_ =	shalt  }
0x82: {  	_ =	shalt  }
0x83: {  	_ =	shalt  }
0x84: {  	_ =	shalt  }
0x85: {  	_ =	shalt  }
0x86: {  	_ =	shalt  }
0x87: {  	_ =	shalt  }
.Lfunc_end0:
.L_simem_size_0:
called_computation_lowered:
.L_overlay_start_0:
0x88: {  	s2 =	sld [smem:$0x3FD9]  }
0x89: {  	s3 =	sld [smem:$0x3FFE];
	_ =	sdelay $0x1  }
0x8a: {  	s1 =	srdreg.scid  }
0x8b: {  	s0 =	sand.u32 $0x1, s1  }
0x8c: {  	s17 =	sshll.u32 s0, $0xA;
	s2 =	sadd.s32 s3, s2  }
0x8d: {  	s2 =	sadd.s32 s2, s17  }
0x8e: {  	[smem:$0x3FC5] =	sst s2  }
0x8f: {  	_ = 	snop  }
0x90: {  	s2 =	sld [smem:$0x3FD0];
	(tm) =	ssettm $0x1  }
0x91: {  	s18 =	sld [smem:$0x3FFB];
	_ =	sdelay $0x3  }
0x92: {  	_ =	strace s18  }
0x93: {  	s3 =	sld [smem:$0x3FFC];
	_ =	sdelay $0x3  }
0x94: {  	_ =	strace s3  }
0x95: {  	s3 =	sld [smem:$0x3FFD];
	_ =	sdelay $0x3  }
0x96: {  	_ =	strace s3  }
0x97: {  	_ =	strace $0x8FFFFFFF  }
0x98: {  	s19 =	sld [smem:$0x3FDB];
	_ =	sdelay $0x1  }
0x99: {  	s4 =	simm.s32 $_scs_section_size  }
0x9a: {  	s5 =	simm.s32 $_size__tile_overlayer_lowered;
	s6 =	simm.s32 $_tile_overlayer_lowered  }
0x9b: {  	s22 =	simm.s32 $0x1BFF;
	s21 =	sshll.u32 s6, $0x1;
	s3 =	sadd.s32 s4, s19  }
0x9c: {  	s7 =	simm.s32 $0x0;
	s20 =	sshll.u32 s5, $0x1;
	s5 =	sadd.s32 s21, s3  }
0x9d: {  	[timem:s7], [sflag:s22] =	dma.local [hbm:s5], s20  }
0x9e: {  	_ =	swait.ge [sflag:s22], s20  }
0x9f: {  	s4 =	ssub.s32 $0x0, s20;
	[sflag:s22] =	ssyncset.done $0x0  }
0xa0: {  	[sflag:s22] =	ssyncadd.s32 s4;
	_ =	sdelay $0x1  }
0xa1: {  	s23 =	simm.s32 $0x1B8B  }
0xa2: {  	_ =	swait.ge [sflag:s23], $0x1  }
0xa3: {  	[sflag:s23] =	ssyncset.done $0x0  }
0xa4: {  	s25 =	simm.s32 $0x1B8E;
	s24 =	sld [smem:$0x3FFE];
	[sflag:s23] =	ssyncadd.s32 $0xFFFFFFFF  }
0xa5: {  	s26 =	simm.s32 $execute0_lowered;
	[smem:$0x3FD2] =	sst s25  }
0xa6: {  	s5 =	sshll.u32 s26, $0x1;
	_ =	strace $0x80000046;
	[dreg:$0x1] =	wrdreg $0xFFFFFFFF  }
0xa7: {  	s28 =	simm.s32 $_size_execute0_lowered;
	s3 =	sadd.s32 s3, s5;
	[dreg:$0x0] =	wrdreg $0x0  }
0xa8: {  	s5 =	sshll.u32 s28, $0x1;
	[dreg:$0x2] =	wrdreg s3  }
0xa9: {  	[dreg:$0x3] =	wrdreg s5  }
0xaa: {  	[dreg:$0x4] =	wrdreg $0xC0  }
0xab: {  	_ =	task [dreg:s7], $0x5FFFF  }
0xac: {  	[dreg:$0x1] =	wrdreg $0xFFFFFFFF  }
0xad: {  	[dreg:$0x0] =	wrdreg $0x60  }
0xae: {  	[dreg:$0x2] =	wrdreg s24  }
0xaf: {  	[dreg:$0x3] =	wrdreg s2  }
0xb0: {  	[dreg:$0x4] =	wrdreg $0x9  }
0xb1: {  	_ =	task.clear_ibuf [dreg:s7], $0x5FFFF;
	_ =	strace $0x90000046  }
0xb2: {  	s29 =	simm.s32 $0x9;
	_ =	strace $0x80000048  }
0xb3: {  	_ =	swait.ge [sflag:s29], $0x1  }
0xb4: {  	[sflag:s29] =	ssyncadd.s32 $0xFFFFFFFF  }
0xb5: {  	_ =	strace $0x90000048  }
0xb6: {  	_ =	sfence  }
0xb7: {  	s30 =	sld [smem:$0x0];
	_ =	sdelay $0x2  }
0xb8: {  	s31 =	sshll.u32 s1, $0xD;
	s1 =	sshrl.u32 s1, $0x2  }
0xb9: {  	s3 =	sand.u32 $0x4000, s31;
	s1 =	sadd.s32 s1, s30  }
0xba: {  	s0 =	sor.u32 s3, s0;
	s1 =	sshll.u32 s1, $0x11  }
0xbb: {  	s0 =	sor.u32 s1, s0  }
0xbc: {  	s0 =	sadd.s32 $0x8F2B, s0  }
0xbd: {  	[sflag:s0] =	ssyncadd.remote.s32 $0x1  }
0xbe: {  	_ =	sfence.sel $0xFFFF  }
0xbf: {  	[dreg:$0x0] =	wrdreg $0xFFFFFFFF;
	(pc) =	sbr.abs _section_cstart, $3  }
0xc0: {  	[dreg:$0x1] =	wrdreg $0xFFFFFFFF  }
0xc1: {  	_ =	task.clear_ibuf [dreg:s7], $0x2FFFF;
	_ =	strace $0x9FFFFFFF  }
0xc2: {  	(tm) =	ssettm $0x7FFFFFFF  }
0xc3: {  	_ =	shalt  }
tec
execute0_lowered:
.L_overlay_start_1:
0x0: {  	(tag) =	ssettag $0x1  }
0x1: {  	s5 =	rddreg [dreg:$0x0]  }
0x2: {  	s7 =	rddreg [dreg:$0x1]  }
0x3: {  	s0 =	rddreg [dreg:$0x2]  }
0x4: {  	s2 =	simm.s32 $0x0;
	s4 =	srdreg.scid;
	s1 =	stileid.u32  }
0x5: {  	[smem:$0x7FF] =	sst s2;
	s3 =	sadd.s32 $0x1000, s5;
	s8 =	sand.u32 $0x1, s4  }
0x6: {  	s6 =	sshll.u32 s1, $0x1;
	s4 =	simm.s32 $0x1;
	_ =	strace $0x80000047  }
0x7: {  	[tilespmem:s2], [sflag:$0x1] =	stream.linear.gather [hbm4b:s3+s2], $0x18700, $0x38;
	[tilespmem:$0x18B80] =	vst v63  }
0x8: {  	s9 =	sor.u32 s8, s6;
	_ =	swait.ge [sflag:s4], $0x18700  }
0x9: {  	s6 =	sshll.u32 s9, $0x7;
	[sflag:s4] =	ssyncset.done $0x0  }
0xa: {  	s5 =	sadd.s32 s5, s6;
	s6 =	simm.s32 $0x18700;
	[sflag:s4] =	ssyncadd.s32 $0xFFFE7900  }
0xb: {  	[tilespmem:s6], [sflag:$0x1] =	stream.linear.gather [hbm4b:s5+s2], $0x380, $0x38;
	[tilespmem:$0x18B80] =	vst v63  }
0xc: {  	_ =	swait.ge [sflag:s4], $0x380  }
0xd: {  	[sflag:s4] =	ssyncset.done $0x0  }
0xe: {  	[sflag:s4] =	ssyncadd.s32 $0xFFFFFC80  }
0xf: {  	v0 =	vld [tilespmem:$0x18700];
	_ =	sdelay $0x1  }
0x10: {  	v1 =	vld [tilespmem:$0x18780];
	_ =	sdelay $0x1  }
0x11: {  	v2 =	vld [tilespmem:$0x18800];
	_ =	sdelay $0x1  }
0x12: {  	v3 =	vld [tilespmem:$0x18880]  }
0x13: {  	v4 =	vld [tilespmem:$0x18900]  }
0x14: {  	v0 =	vld.idx.msk [tilespmem:v0+s2+$0x0], $0xffff  }
0x15: {  	v5 =	vld [tilespmem:$0x18980]  }
0x16: {  	v1 =	vld.idx.msk [tilespmem:v1+s2+$0x0], $0xffff  }
0x17: {  	v6 =	vld [tilespmem:$0x18A00]  }
0x18: {  	v2 =	vld.idx.msk [tilespmem:v2+s2+$0x0], $0xffff  }
0x19: {  	v0 =	vadd.f32 $0.0e+00, v0  }
0x1a: {  	v3 =	vld.idx.msk [tilespmem:v3+s2+$0x0], $0xffff  }
0x1b: {  	v0 =	vadd.f32 v1, v0  }
0x1c: {  	v52 =	vld.idx.msk [tilespmem:v4+s2+$0x0], $0xffff  }
0x1d: {  	v0 =	vadd.f32 v2, v0  }
0x1e: {  	v53 =	vld.idx.msk [tilespmem:v5+s2+$0x0], $0xffff  }
0x1f: {  	v0 =	vadd.f32 v3, v0  }
0x20: {  	v54 =	vld.idx.msk [tilespmem:v6+s2+$0x0], $0xffff  }
0x21: {  	v0 =	vadd.f32 v52, v0  }
0x22: {  	v55 =	vld [tilespmem:$0x18710]  }
0x23: {  	v0 =	vadd.f32 v53, v0  }
0x24: {  	v56 =	vld [tilespmem:$0x18790]  }
0x25: {  	v0 =	vadd.f32 v54, v0  }
0x26: {  	v57 =	vld [tilespmem:$0x18810]  }
0x27: {  	v0 =	vmul.f32 $1.428571490e-01, v0  }
0x28: {  	v58 =	vld [tilespmem:$0x18890]  }
0x29: {  	v59 =	vld [tilespmem:$0x18910];
	[tilespmem:$0x18B00] =	vst v0  }
0x2a: {  	v1 =	vld.idx.msk [tilespmem:v55+s2+$0x0], $0xffff  }
0x2b: {  	v60 =	vld [tilespmem:$0x18990]  }
0x2c: {  	v2 =	vld.idx.msk [tilespmem:v56+s2+$0x0], $0xffff  }
0x2d: {  	v61 =	vld [tilespmem:$0x18A10]  }
0x2e: {  	v3 =	vld.idx.msk [tilespmem:v57+s2+$0x0], $0xffff  }
0x2f: {  	v1 =	vadd.f32 $0.0e+00, v1  }
0x30: {  	v4 =	vld.idx.msk [tilespmem:v58+s2+$0x0], $0xffff  }
0x31: {  	v1 =	vadd.f32 v2, v1  }
0x32: {  	v0 =	vld.idx.msk [tilespmem:v59+s2+$0x0], $0xffff  }
0x33: {  	v1 =	vadd.f32 v3, v1  }
0x34: {  	v62 =	vld.idx.msk [tilespmem:v60+s2+$0x0], $0xffff  }
0x35: {  	v1 =	vadd.f32 v4, v1  }
0x36: {  	v63 =	vld.idx.msk [tilespmem:v61+s2+$0x0], $0xffff  }
0x37: {  	v0 =	vadd.f32 v0, v1;
	_ =	sdelay $0x1  }
0x38: {  	s8 =	ssub.s32 $0x2, s8;
	v0 =	vadd.f32 v62, v0  }
0x39: {  	s10 =	sshrl.u32 s8, $0x1  }
0x3a: {  	s8 =	ssub.s32 s8, s10;
	v0 =	vadd.f32 v63, v0  }
0x3b: {  	s31 =	smax.u32 s8, $0x1  }
0x3c: {  	p0 =	sne.s32 s31, $0x1;
	v0 =	vmul.f32 $1.428571490e-01, v0  }
.Ltmp0:
0x3d: {  	s9 =	sshll.u32 s9, $0x2;
	(pc) =	sbr.rel @!p0 .LBB2_2-.Ltmp0, $4  }
0x3e: {  	s7 =	sadd.s32 s7, s9;
	s8 =	simm.s32 $0x18B00;
	[tilespmem:$0x18B10] =	vst v0  }
0x3f: {  	[hbm4b:s7+s2] =	stream.linear.scatter [tilespmem:s8], [sflag:$0x1], $0x20, $0x38;
	[tilespmem:$0x18B80] =	vst v63  }
0x40: {  	_ =	swait.ge [sflag:s4], $0x20  }
0x41: {  	s9 =	sadd.s32 $0xFFFFFFFF, s31;
	[sflag:s4] =	ssyncset.done $0x0  }
.LBB2_1:
0x42: {  	p0 =	sne.s32 s9, $0x1;
	s9 =	sadd.s32 $0xFFFFFFFF, s9;
	[sflag:s4] =	ssyncadd.s32 $0xFFFFFFE0  }
0x43: {  	[tilespmem:s2], [sflag:$0x1] =	stream.linear.gather [hbm4b:s3+s2], $0x18700, $0x38;
	[tilespmem:$0x18B80] =	vst v63  }
0x44: {  	_ =	swait.ge [sflag:s4], $0x18700  }
0x45: {  	[sflag:s4] =	ssyncset.done $0x0  }
0x46: {  	[sflag:s4] =	ssyncadd.s32 $0xFFFE7900  }
0x47: {  	[tilespmem:s6], [sflag:$0x1] =	stream.linear.gather [hbm4b:s5+s2], $0x380, $0x38;
	[tilespmem:$0x18B80] =	vst v63  }
0x48: {  	_ =	swait.ge [sflag:s4], $0x380  }
0x49: {  	[sflag:s4] =	ssyncset.done $0x0  }
0x4a: {  	[sflag:s4] =	ssyncadd.s32 $0xFFFFFC80  }
0x4b: {  	v0 =	vld [tilespmem:$0x18700]  }
0x4c: {  	v1 =	vld [tilespmem:$0x18780]  }
0x4d: {  	v2 =	vld [tilespmem:$0x18800]  }
0x4e: {  	v3 =	vld [tilespmem:$0x18880]  }
0x4f: {  	v4 =	vld [tilespmem:$0x18900]  }
0x50: {  	v5 =	vld [tilespmem:$0x18980]  }
0x51: {  	v6 =	vld [tilespmem:$0x18A00];
	_ =	sdelay $0x1  }
0x52: {  	v0 =	vld.idx.msk [tilespmem:v0+s2+$0x0], $0xffff;
	_ =	sdelay $0x1  }
0x53: {  	v1 =	vld.idx.msk [tilespmem:v1+s2+$0x0], $0xffff;
	_ =	sdelay $0x1  }
0x54: {  	v2 =	vld.idx.msk [tilespmem:v2+s2+$0x0], $0xffff;
	_ =	sdelay $0x1  }
0x55: {  	v0 =	vadd.f32 $0.0e+00, v0;
	v3 =	vld.idx.msk [tilespmem:v3+s2+$0x0], $0xffff;
	_ =	sdelay $0x1  }
0x56: {  	v0 =	vadd.f32 v1, v0;
	v1 =	vld.idx.msk [tilespmem:v4+s2+$0x0], $0xffff;
	_ =	sdelay $0x1  }
0x57: {  	v0 =	vadd.f32 v2, v0;
	v2 =	vld.idx.msk [tilespmem:v5+s2+$0x0], $0xffff;
	_ =	sdelay $0x1  }
0x58: {  	v0 =	vadd.f32 v3, v0;
	v3 =	vld.idx.msk [tilespmem:v6+s2+$0x0], $0xffff;
	_ =	sdelay $0x1  }
0x59: {  	v0 =	vadd.f32 v1, v0  }
0x5a: {  	v1 =	vld [tilespmem:$0x18710]  }
0x5b: {  	v0 =	vadd.f32 v2, v0  }
0x5c: {  	v2 =	vld [tilespmem:$0x18790]  }
0x5d: {  	v0 =	vadd.f32 v3, v0  }
0x5e: {  	v3 =	vld [tilespmem:$0x18810]  }
0x5f: {  	v0 =	vmul.f32 $1.428571490e-01, v0  }
0x60: {  	v4 =	vld [tilespmem:$0x18890]  }
0x61: {  	[tilespmem:$0x18B00] =	vst v0;
	v0 =	vld [tilespmem:$0x18910]  }
0x62: {  	v1 =	vld.idx.msk [tilespmem:v1+s2+$0x0], $0xffff  }
0x63: {  	v5 =	vld [tilespmem:$0x18990]  }
0x64: {  	v2 =	vld.idx.msk [tilespmem:v2+s2+$0x0], $0xffff  }
0x65: {  	v6 =	vld [tilespmem:$0x18A10]  }
0x66: {  	v3 =	vld.idx.msk [tilespmem:v3+s2+$0x0], $0xffff;
	_ =	sdelay $0x1  }
0x67: {  	v1 =	vadd.f32 $0.0e+00, v1;
	v4 =	vld.idx.msk [tilespmem:v4+s2+$0x0], $0xffff;
	_ =	sdelay $0x1  }
0x68: {  	v1 =	vadd.f32 v2, v1;
	v0 =	vld.idx.msk [tilespmem:v0+s2+$0x0], $0xffff;
	_ =	sdelay $0x1  }
0x69: {  	v1 =	vadd.f32 v3, v1;
	v2 =	vld.idx.msk [tilespmem:v5+s2+$0x0], $0xffff;
	_ =	sdelay $0x1  }
0x6a: {  	v1 =	vadd.f32 v4, v1;
	v3 =	vld.idx.msk [tilespmem:v6+s2+$0x0], $0xffff;
	_ =	sdelay $0x1  }
0x6b: {  	v0 =	vadd.f32 v0, v1;
	_ =	sdelay $0x1  }
0x6c: {  	v0 =	vadd.f32 v2, v0;
	_ =	sdelay $0x1  }
0x6d: {  	v0 =	vadd.f32 v3, v0;
	_ =	sdelay $0x1  }
0x6e: {  	v0 =	vmul.f32 $1.428571490e-01, v0  }
.Ltmp1:
0x6f: {  	(pc) =	sbr.rel @p0 .LBB2_1-.Ltmp1, $4  }
0x70: {  	[tilespmem:$0x18B10] =	vst v0  }
0x71: {  	[hbm4b:s7+s2] =	stream.linear.scatter [tilespmem:s8], [sflag:$0x1], $0x20, $0x38;
	[tilespmem:$0x18B80] =	vst v63  }
0x72: {  	_ =	swait.ge [sflag:s4], $0x20  }
0x73: {  	[sflag:s4] =	ssyncset.done $0x0  }
.LBB2_2:
0x74: {  	[sflag:s4] =	ssyncadd.s32 $0xFFFFFFE0  }
0x75: {  	_ =	sfence.sel $0x180000  }
0x76: {  	[bflag:$0x0] =	sbarrier.arrive $0xFFFF  }
0x77: {  	p0 =	sne.s32 s1, $0x0;
	_ =	strace $0x90000047  }
0x78: {  	s0 =	sadd.s32 @!p0 $0x100000, s0;
	[bflag:$0x2] =	sbarrier.arrive $0xFFFF  }
0x79: {  	[sflag:s0] =	ssyncadd.tile.s32 @!p0 $0x1;
	_ =	shalt  }
.Lfunc_end2:
_tile_overlayer_lowered:
.L_overlay_start_2:
0x7a: {  	(tag) =	ssettag $0x2  }
0x7b: {  	s0 =	rddreg [dreg:$0x0];
	s2 =	stileid.u32  }
0x7c: {  	s1 =	rddreg [dreg:$0x1];
	p0 =	sne.s32 s2, $0x0  }
0x7d: {  	s3 =	rddreg [dreg:$0x2];
	[bflag:$0x3] =	sbarrier.arrive $0xFFFF;
	s2 =	simm.s32 @!p0 $0x1C01  }
0x7e: {  	[timem:s3], [sflag:s2] =	dma.local @!p0 [hbm:s0], s1  }
0x7f: {  	s0 =	simm.s32 @!p0 $0x1  }
0x80: {  	_ =	swait.ge @!p0 [sflag:s0], s1  }
0x81: {  	s1 =	ssub.s32 @!p0 $0x0, s1;
	[sflag:s0] =	ssyncset.done @!p0 $0x0  }
0x82: {  	[sflag:s0] =	ssyncadd.s32 @!p0 s1  }
0x83: {  	[bflag:$0x3] =	sbarrier.arrive $0xFFFF  }
0x84: {  	_ =	shalt  }

</sc_bundles>
